<compile_context>
chip_gen: v7x
topology: tpu7x:2x2x1
jax: 0.10.2.dev20260603
libtpu: 0.0.44.dev20260713+nightly
codegen_flags: <defaults>
</compile_context>

<pallas_src>
import functools

import jax
import jax.numpy as jnp
from jax import lax
from jax.experimental import pallas as pl
from jax.experimental.pallas import tpu as pltpu
from jax.experimental.pallas import tpu_sc as plsc

_D = 64
_SCALE = 8.0
_NC = 2
_NS = 16
_NW = _NC * _NS
_BW = 128
_K = 128
_NBUF = 4
_PF = 2


@functools.lru_cache(maxsize=None)
def _build(batch, seq):
    assert batch == _BW * _NW
    n_chunks = _BW * seq // _K
    mesh = plsc.VectorSubcoreMesh(core_axis_name="c", subcore_axis_name="s")

    @functools.partial(
        pl.kernel,
        mesh=mesh,
        out_type=jax.ShapeDtypeStruct((batch * seq, 128), jnp.float32),
        compiler_params=pltpu.CompilerParams(needs_layout_passes=False),
        scratch_types=[
            pltpu.VMEM((_BW * seq,), jnp.int32),
            pltpu.VMEM((_NBUF, _K, 128), jnp.float32),
            pltpu.SemaphoreType.DMA((_NBUF,)),
            pltpu.SemaphoreType.DMA((_NBUF,)),
        ],
    )
    def gather_scale(idx_hbm, table_hbm, out_hbm, xb_v, rows_v, g_sem, s_sem):
        wid = lax.axis_index("s") * _NC + lax.axis_index("c")
        b0 = wid * _BW

        pltpu.sync_copy(idx_hbm.at[pl.ds(b0 * seq, _BW * seq)], xb_v)

        def gather_start(c, b):
            pltpu.async_copy(table_hbm.at[xb_v.at[pl.ds(c * _K, _K)]],
                             rows_v.at[b], g_sem.at[b])

        def gather_wait(b):
            pltpu.make_async_copy(table_hbm.at[xb_v.at[pl.ds(0, _K)]],
                                  rows_v.at[b], g_sem.at[b]).wait()

        def scatter_start(c, b):
            pltpu.async_copy(rows_v.at[b],
                             out_hbm.at[pl.ds(b0 * seq + c * _K, _K)],
                             s_sem.at[b])

        def scatter_wait(b):
            pltpu.make_async_copy(rows_v.at[b], out_hbm.at[pl.ds(0, _K)],
                                  s_sem.at[b]).wait()

        for b in range(_PF):
            gather_start(b, b)

        def group(g, carry):
            for b in range(_NBUF):
                c = g * _NBUF + b
                gather_wait(b)

                def sc_body(r0, c2):
                    for ur in range(4):
                        r = r0 * 4 + ur
                        for u in range(_D // 16):
                            rows_v[b, r, pl.ds(u * 16, 16)] = (
                                rows_v[b, r, pl.ds(u * 16, 16)] * _SCALE
                            )
                    return c2

                lax.fori_loop(0, _K // 4, sc_body, 0)
                scatter_start(c, b)

                cp = c + _PF
                bp = (b + _PF) % _NBUF

                @pl.when(cp < n_chunks)
                def _():
                    @pl.when(cp >= _NBUF)
                    def _():
                        scatter_wait(bp)

                    gather_start(cp, bp)

            return carry

        lax.fori_loop(0, n_chunks // _NBUF, group, 0)

        for b in range(_NBUF):
            scatter_wait(b)

    return gather_scale


def kernel(x, embedding):
    batch, seq = x.shape
    idx = x.reshape(-1).astype(jnp.int32)
    tab_p = jnp.pad(embedding, ((0, 0), (0, 128 - _D)))
    out_p = _build(batch, seq)(idx, tab_p)
    return out_p.reshape(batch, seq, 128)[:, :, :_D]

# --- scband reference (transcript-rebuilt; emitter-appended) ---
"""Pipeline reference for scband-input-network-71244917506150 (READ-ONLY COPY).

The authoritative reference and input builder live on the scoring server;
editing this copy changes nothing except your own understanding.
"""

import jax, jax.numpy as jnp
import numpy as np
import math

VOCAB = 1000000
D_MODEL = 64
BATCH = 4096
SEQ = 200

def setup_inputs(seed: int = 0) -> dict:
    key = jax.random.key(seed)
    k_idx, k_tab = jax.random.split(key)
    x = jax.random.randint(k_idx, (BATCH, SEQ), 0, VOCAB, dtype=jnp.int64 if jax.config.jax_enable_x64 else jnp.int32)
    embedding = jax.random.normal(k_tab, (VOCAB, D_MODEL), dtype=jnp.float32)
    return {"x": x, "embedding": embedding}

def reference(x, embedding):
    scale = math.sqrt(D_MODEL)
    emb = jnp.take(embedding, x, axis=0) * scale
    return emb

if __name__ == "__main__":
    import jax
    _d = setup_inputs()
    print(jax.jit(kernel)(*tuple(_d.values())))

</pallas_src>

<mosaic_0001>
#map = affine_map<(d0, d1) -> (0)>
#map1 = affine_map<(d0, d1) -> (0, 0)>
module attributes {stable_mosaic.version = 14 : i64} {
  func.func @gather_scale(%arg0: i32, %arg1: i32, %arg2: memref<819200xi32, #tpu.memory_space<hbm>>, %arg3: memref<1000000x128xf32, #tpu.memory_space<hbm>>, %arg4: memref<819200x128xf32, #tpu.memory_space<hbm>>, %arg5: memref<25600xi32, #tpu.memory_space<vmem>>, %arg6: memref<4x128x128xf32, #tpu.memory_space<vmem>>, %arg7: memref<4x!tpu.dma_semaphore, #tpu.memory_space<semaphore_mem>>, %arg8: memref<4x!tpu.dma_semaphore, #tpu.memory_space<semaphore_mem>>) attributes {dimension_semantics = [#tpu.dimension_semantics<core_parallel>, #tpu.dimension_semantics<subcore_parallel>], iteration_bounds = array<i64: 2, 16>, scalar_prefetch = 0 : i64, scratch_operands = 4 : i64, tpu.core_type = #tpu.core_type<sc_vector_subcore>, window_params = [{transform_indices = #map}, {transform_indices = #map1}, {transform_indices = #map1}]} {
    %mul3A = arith.constant 2 : i32
    %mul3A_0 = arith.muli %arg1, %mul3A : i32
    %add3A = arith.addi %mul3A_0, %arg0 : i32
    %mul3A_1 = arith.constant 128 : i32
    %mul3A_2 = arith.muli %add3A, %mul3A_1 : i32
    %mul3A_3 = arith.constant 200 : i32
    %mul3A_4 = arith.muli %mul3A_2, %mul3A_3 : i32
    "tpu.region"() ({
      %run_scoped3A = tpu.sem_alloc : memref<!tpu.dma_semaphore, #tpu.memory_space<semaphore_mem>>
      %dma_start3A_106 = tpu.memref_slice %arg2[%mul3A_4] : memref<819200xi32, #tpu.memory_space<hbm>> -> memref<25600xi32, #tpu.memory_space<hbm>>
      %dma_start3A_107 = tpu.memref_slice %arg2[%mul3A_4] : memref<819200xi32, #tpu.memory_space<hbm>> -> memref<25600xi32, #tpu.memory_space<hbm>>
      tpu.enqueue_dma source(%dma_start3A_107 : memref<25600xi32, #tpu.memory_space<hbm>>) target(%arg5 : memref<25600xi32, #tpu.memory_space<vmem>>) target_semaphore(%run_scoped3A : memref<!tpu.dma_semaphore, #tpu.memory_space<semaphore_mem>>)
      %dma_wait3A_108 = tpu.memref_slice %arg2[%mul3A_4] : memref<819200xi32, #tpu.memory_space<hbm>> -> memref<25600xi32, #tpu.memory_space<hbm>>
      %dma_wait3A_109 = tpu.memref_slice %arg2[%mul3A_4] : memref<819200xi32, #tpu.memory_space<hbm>> -> memref<25600xi32, #tpu.memory_space<hbm>>
      tpu.wait_dma2 semaphore(%run_scoped3A : memref<!tpu.dma_semaphore, #tpu.memory_space<semaphore_mem>>) src(%dma_wait3A_109 : memref<25600xi32, #tpu.memory_space<hbm>>) dst(%arg5 : memref<25600xi32, #tpu.memory_space<vmem>>)
      tpu.yield
    }) : () -> ()
    %dma_start3A = arith.constant 0 : i32
    %dma_start3A_5 = arith.constant 0 : i32
    %dma_start3A_6 = arith.constant 0 : i32
    %dma_start3A_7 = arith.constant 0 : i32
    %dma_start3A_8 = tpu.memref_slice %arg6[%dma_start3A, %dma_start3A_6, %dma_start3A_7] : memref<4x128x128xf32, #tpu.memory_space<vmem>> -> memref<1x128x128xf32, #tpu.memory_space<vmem>>
    %dma_start3A_9 = tpu.memref_squeeze %dma_start3A_8 : memref<1x128x128xf32, #tpu.memory_space<vmem>> -> memref<128x128xf32, #tpu.memory_space<vmem>>
    %dma_start3A_10 = arith.constant 0 : i32
    %dma_start3A_11 = tpu.memref_slice %arg5[%dma_start3A_10] : memref<25600xi32, #tpu.memory_space<vmem>> -> memref<128xi32, #tpu.memory_space<vmem>>
    %dma_start3A_12 = arith.constant 0 : i32
    %dma_start3A_13 = arith.constant 0 : i32
    %dma_start3A_14 = tpu.memref_slice %arg3[%dma_start3A_12, %dma_start3A_13] : memref<1000000x128xf32, #tpu.memory_space<hbm>> -> memref<1000000x128xf32, #tpu.memory_space<hbm>>
    %dma_start3A_15 = tpu.memref_slice %arg7[%dma_start3A_5] : memref<4x!tpu.dma_semaphore, #tpu.memory_space<semaphore_mem>> -> memref<1x!tpu.dma_semaphore, #tpu.memory_space<semaphore_mem>>
    %dma_start3A_16 = tpu.memref_squeeze %dma_start3A_15 : memref<1x!tpu.dma_semaphore, #tpu.memory_space<semaphore_mem>> -> memref<!tpu.dma_semaphore, #tpu.memory_space<semaphore_mem>>
    tpu.enqueue_indirect_dma source(%dma_start3A_14 : memref<1000000x128xf32, #tpu.memory_space<hbm>>) target(%dma_start3A_9 : memref<128x128xf32, #tpu.memory_space<vmem>>) offsets(%dma_start3A_11 : memref<128xi32, #tpu.memory_space<vmem>>) semaphore(%dma_start3A_16 : memref<!tpu.dma_semaphore, #tpu.memory_space<semaphore_mem>>)
    %dma_start3A_17 = arith.constant 1 : i32
    %dma_start3A_18 = arith.constant 1 : i32
    %dma_start3A_19 = arith.constant 0 : i32
    %dma_start3A_20 = arith.constant 0 : i32
    %dma_start3A_21 = tpu.memref_slice %arg6[%dma_start3A_17, %dma_start3A_19, %dma_start3A_20] : memref<4x128x128xf32, #tpu.memory_space<vmem>> -> memref<1x128x128xf32, #tpu.memory_space<vmem>>
    %dma_start3A_22 = tpu.memref_squeeze %dma_start3A_21 : memref<1x128x128xf32, #tpu.memory_space<vmem>> -> memref<128x128xf32, #tpu.memory_space<vmem>>
    %dma_start3A_23 = arith.constant 128 : i32
    %dma_start3A_24 = tpu.memref_slice %arg5[%dma_start3A_23] : memref<25600xi32, #tpu.memory_space<vmem>> -> memref<128xi32, #tpu.memory_space<vmem>>
    %dma_start3A_25 = arith.constant 0 : i32
    %dma_start3A_26 = arith.constant 0 : i32
    %dma_start3A_27 = tpu.memref_slice %arg3[%dma_start3A_25, %dma_start3A_26] : memref<1000000x128xf32, #tpu.memory_space<hbm>> -> memref<1000000x128xf32, #tpu.memory_space<hbm>>
    %dma_start3A_28 = tpu.memref_slice %arg7[%dma_start3A_18] : memref<4x!tpu.dma_semaphore, #tpu.memory_space<semaphore_mem>> -> memref<1x!tpu.dma_semaphore, #tpu.memory_space<semaphore_mem>>
    %dma_start3A_29 = tpu.memref_squeeze %dma_start3A_28 : memref<1x!tpu.dma_semaphore, #tpu.memory_space<semaphore_mem>> -> memref<!tpu.dma_semaphore, #tpu.memory_space<semaphore_mem>>
    tpu.enqueue_indirect_dma source(%dma_start3A_27 : memref<1000000x128xf32, #tpu.memory_space<hbm>>) target(%dma_start3A_22 : memref<128x128xf32, #tpu.memory_space<vmem>>) offsets(%dma_start3A_24 : memref<128xi32, #tpu.memory_space<vmem>>) semaphore(%dma_start3A_29 : memref<!tpu.dma_semaphore, #tpu.memory_space<semaphore_mem>>)
    %scan3A = arith.constant 0 : i32
    %scan3A_30 = arith.constant 0 : i32
    %scan3A_31 = arith.constant 50 : i32
    %scan3A_32 = arith.addi %scan3A_30, %scan3A_31 : i32
    %scan3A_33 = arith.constant 1 : i32
    scf.for %scan3A_106 = %scan3A_30 to %scan3A_32 step %scan3A_33  : i32 {
      %mul3A_107 = arith.constant 4 : i32
      %mul3A_108 = arith.muli %scan3A_106, %mul3A_107 : i32
      %add3A_109 = arith.constant 0 : i32
      %add3A_110 = arith.addi %mul3A_108, %add3A_109 : i32
      %dma_wait3A_111 = arith.constant 0 : i32
      %dma_wait3A_112 = arith.constant 0 : i32
      %dma_wait3A_113 = arith.constant 0 : i32
      %dma_wait3A_114 = arith.constant 0 : i32
      %dma_wait3A_115 = tpu.memref_slice %arg6[%dma_wait3A_111, %dma_wait3A_113, %dma_wait3A_114] : memref<4x128x128xf32, #tpu.memory_space<vmem>> -> memref<1x128x128xf32, #tpu.memory_space<vmem>>
      %dma_wait3A_116 = tpu.memref_squeeze %dma_wait3A_115 : memref<1x128x128xf32, #tpu.memory_space<vmem>> -> memref<128x128xf32, #tpu.memory_space<vmem>>
      %dma_wait3A_117 = arith.constant 0 : i32
      %dma_wait3A_118 = tpu.memref_slice %arg5[%dma_wait3A_117] : memref<25600xi32, #tpu.memory_space<vmem>> -> memref<128xi32, #tpu.memory_space<vmem>>
      %dma_wait3A_119 = arith.constant 0 : i32
      %dma_wait3A_120 = arith.constant 0 : i32
      %dma_wait3A_121 = tpu.memref_slice %arg3[%dma_wait3A_119, %dma_wait3A_120] : memref<1000000x128xf32, #tpu.memory_space<hbm>> -> memref<1000000x128xf32, #tpu.memory_space<hbm>>
      %dma_wait3A_122 = tpu.memref_slice %arg7[%dma_wait3A_112] : memref<4x!tpu.dma_semaphore, #tpu.memory_space<semaphore_mem>> -> memref<1x!tpu.dma_semaphore, #tpu.memory_space<semaphore_mem>>
      %dma_wait3A_123 = tpu.memref_squeeze %dma_wait3A_122 : memref<1x!tpu.dma_semaphore, #tpu.memory_space<semaphore_mem>> -> memref<!tpu.dma_semaphore, #tpu.memory_space<semaphore_mem>>
      tpu.wait_indirect_dma semaphore(%dma_wait3A_123 : memref<!tpu.dma_semaphore, #tpu.memory_space<semaphore_mem>>) src(%dma_wait3A_121 : memref<1000000x128xf32, #tpu.memory_space<hbm>>) dst(%dma_wait3A_116 : memref<128x128xf32, #tpu.memory_space<vmem>>)
      %scan3A_124 = arith.constant 0 : i32
      %scan3A_125 = arith.constant 0 : i32
      %scan3A_126 = arith.constant 32 : i32
      %scan3A_127 = arith.addi %scan3A_125, %scan3A_126 : i32
      %scan3A_128 = arith.constant 1 : i32
      scf.for %scan3A_308 = %scan3A_125 to %scan3A_127 step %scan3A_128  : i32 {
        %mul3A_309 = arith.constant 4 : i32
        %mul3A_310 = arith.muli %scan3A_308, %mul3A_309 : i32
        %add3A_311 = arith.constant 0 : i32
        %add3A_312 = arith.addi %mul3A_310, %add3A_311 : i32
        %get3A = arith.constant 0 : i32
        %get3A_313 = arith.index_cast %get3A : i32 to index
        %get3A_314 = arith.index_cast %add3A_312 : i32 to index
        %get3A_315 = arith.constant 0 : index
        %get3A_316 = tpu.vector_load %arg6[%get3A_313, %get3A_314, %get3A_315] {strides = array<i32>} : memref<4x128x128xf32, #tpu.memory_space<vmem>>, vector<16xf32>,
        %mul3A_317 = arith.constant 8.000000e+00 : f32
        %mul3A_318 = vector.broadcast %mul3A_317 : f32 to vector<16xf32>
        %mul3A_319 = arith.mulf %get3A_316, %mul3A_318 : vector<16xf32>
        %swap3A = arith.constant 0 : i32
        %swap3A_320 = arith.index_cast %swap3A : i32 to index
        %swap3A_321 = arith.index_cast %add3A_312 : i32 to index
        %swap3A_322 = arith.constant 0 : index
        %swap3A_323 = tpu.vector_load %arg6[%swap3A_320, %swap3A_321, %swap3A_322] {strides = array<i32>} : memref<4x128x128xf32, #tpu.memory_space<vmem>>, vector<16xf32>,
        tpu.vector_store %arg6[%swap3A_320, %swap3A_321, %swap3A_322], %mul3A_319 {strides = array<i32>} : memref<4x128x128xf32, #tpu.memory_space<vmem>>, vector<16xf32>,
        %get3A_324 = arith.constant 0 : i32
        %get3A_325 = arith.index_cast %get3A_324 : i32 to index
        %get3A_326 = arith.index_cast %add3A_312 : i32 to index
        %get3A_327 = arith.constant 16 : index
        %get3A_328 = tpu.vector_load %arg6[%get3A_325, %get3A_326, %get3A_327] {strides = array<i32>} : memref<4x128x128xf32, #tpu.memory_space<vmem>>, vector<16xf32>,
        %mul3A_329 = arith.constant 8.000000e+00 : f32
        %mul3A_330 = vector.broadcast %mul3A_329 : f32 to vector<16xf32>
        %mul3A_331 = arith.mulf %get3A_328, %mul3A_330 : vector<16xf32>
        %swap3A_332 = arith.constant 0 : i32
        %swap3A_333 = arith.index_cast %swap3A_332 : i32 to index
        %swap3A_334 = arith.index_cast %add3A_312 : i32 to index
        %swap3A_335 = arith.constant 16 : index
        %swap3A_336 = tpu.vector_load %arg6[%swap3A_333, %swap3A_334, %swap3A_335] {strides = array<i32>} : memref<4x128x128xf32, #tpu.memory_space<vmem>>, vector<16xf32>,
        tpu.vector_store %arg6[%swap3A_333, %swap3A_334, %swap3A_335], %mul3A_331 {strides = array<i32>} : memref<4x128x128xf32, #tpu.memory_space<vmem>>, vector<16xf32>,
        %get3A_337 = arith.constant 0 : i32
        %get3A_338 = arith.index_cast %get3A_337 : i32 to index
        %get3A_339 = arith.index_cast %add3A_312 : i32 to index
        %get3A_340 = arith.constant 32 : index
        %get3A_341 = tpu.vector_load %arg6[%get3A_338, %get3A_339, %get3A_340] {strides = array<i32>} : memref<4x128x128xf32, #tpu.memory_space<vmem>>, vector<16xf32>,
        %mul3A_342 = arith.constant 8.000000e+00 : f32
        %mul3A_343 = vector.broadcast %mul3A_342 : f32 to vector<16xf32>
        %mul3A_344 = arith.mulf %get3A_341, %mul3A_343 : vector<16xf32>
        %swap3A_345 = arith.constant 0 : i32
        %swap3A_346 = arith.index_cast %swap3A_345 : i32 to index
        %swap3A_347 = arith.index_cast %add3A_312 : i32 to index
        %swap3A_348 = arith.constant 32 : index
        %swap3A_349 = tpu.vector_load %arg6[%swap3A_346, %swap3A_347, %swap3A_348] {strides = array<i32>} : memref<4x128x128xf32, #tpu.memory_space<vmem>>, vector<16xf32>,
        tpu.vector_store %arg6[%swap3A_346, %swap3A_347, %swap3A_348], %mul3A_344 {strides = array<i32>} : memref<4x128x128xf32, #tpu.memory_space<vmem>>, vector<16xf32>,
        %get3A_350 = arith.constant 0 : i32
        %get3A_351 = arith.index_cast %get3A_350 : i32 to index
        %get3A_352 = arith.index_cast %add3A_312 : i32 to index
        %get3A_353 = arith.constant 48 : index
        %get3A_354 = tpu.vector_load %arg6[%get3A_351, %get3A_352, %get3A_353] {strides = array<i32>} : memref<4x128x128xf32, #tpu.memory_space<vmem>>, vector<16xf32>,
        %mul3A_355 = arith.constant 8.000000e+00 : f32
        %mul3A_356 = vector.broadcast %mul3A_355 : f32 to vector<16xf32>
        %mul3A_357 = arith.mulf %get3A_354, %mul3A_356 : vector<16xf32>
        %swap3A_358 = arith.constant 0 : i32
        %swap3A_359 = arith.index_cast %swap3A_358 : i32 to index
        %swap3A_360 = arith.index_cast %add3A_312 : i32 to index
        %swap3A_361 = arith.constant 48 : index
        %swap3A_362 = tpu.vector_load %arg6[%swap3A_359, %swap3A_360, %swap3A_361] {strides = array<i32>} : memref<4x128x128xf32, #tpu.memory_space<vmem>>, vector<16xf32>,
        tpu.vector_store %arg6[%swap3A_359, %swap3A_360, %swap3A_361], %mul3A_357 {strides = array<i32>} : memref<4x128x128xf32, #tpu.memory_space<vmem>>, vector<16xf32>,
        %mul3A_363 = arith.constant 4 : i32
        %mul3A_364 = arith.muli %scan3A_308, %mul3A_363 : i32
        %add3A_365 = arith.constant 1 : i32
        %add3A_366 = arith.addi %mul3A_364, %add3A_365 : i32
        %get3A_367 = arith.constant 0 : i32
        %get3A_368 = arith.index_cast %get3A_367 : i32 to index
        %get3A_369 = arith.index_cast %add3A_366 : i32 to index
        %get3A_370 = arith.constant 0 : index
        %get3A_371 = tpu.vector_load %arg6[%get3A_368, %get3A_369, %get3A_370] {strides = array<i32>} : memref<4x128x128xf32, #tpu.memory_space<vmem>>, vector<16xf32>,
        %mul3A_372 = arith.constant 8.000000e+00 : f32
        %mul3A_373 = vector.broadcast %mul3A_372 : f32 to vector<16xf32>
        %mul3A_374 = arith.mulf %get3A_371, %mul3A_373 : vector<16xf32>
        %swap3A_375 = arith.constant 0 : i32
        %swap3A_376 = arith.index_cast %swap3A_375 : i32 to index
        %swap3A_377 = arith.index_cast %add3A_366 : i32 to index
        %swap3A_378 = arith.constant 0 : index
        %swap3A_379 = tpu.vector_load %arg6[%swap3A_376, %swap3A_377, %swap3A_378] {strides = array<i32>} : memref<4x128x128xf32, #tpu.memory_space<vmem>>, vector<16xf32>,
        tpu.vector_store %arg6[%swap3A_376, %swap3A_377, %swap3A_378], %mul3A_374 {strides = array<i32>} : memref<4x128x128xf32, #tpu.memory_space<vmem>>, vector<16xf32>,
        %get3A_380 = arith.constant 0 : i32
        %get3A_381 = arith.index_cast %get3A_380 : i32 to index
        %get3A_382 = arith.index_cast %add3A_366 : i32 to index
        %get3A_383 = arith.constant 16 : index
        %get3A_384 = tpu.vector_load %arg6[%get3A_381, %get3A_382, %get3A_383] {strides = array<i32>} : memref<4x128x128xf32, #tpu.memory_space<vmem>>, vector<16xf32>,
        %mul3A_385 = arith.constant 8.000000e+00 : f32
        %mul3A_386 = vector.broadcast %mul3A_385 : f32 to vector<16xf32>
        %mul3A_387 = arith.mulf %get3A_384, %mul3A_386 : vector<16xf32>
        %swap3A_388 = arith.constant 0 : i32
        %swap3A_389 = arith.index_cast %swap3A_388 : i32 to index
        %swap3A_390 = arith.index_cast %add3A_366 : i32 to index
        %swap3A_391 = arith.constant 16 : index
        %swap3A_392 = tpu.vector_load %arg6[%swap3A_389, %swap3A_390, %swap3A_391] {strides = array<i32>} : memref<4x128x128xf32, #tpu.memory_space<vmem>>, vector<16xf32>,
        tpu.vector_store %arg6[%swap3A_389, %swap3A_390, %swap3A_391], %mul3A_387 {strides = array<i32>} : memref<4x128x128xf32, #tpu.memory_space<vmem>>, vector<16xf32>,
        %get3A_393 = arith.constant 0 : i32
        %get3A_394 = arith.index_cast %get3A_393 : i32 to index
        %get3A_395 = arith.index_cast %add3A_366 : i32 to index
        %get3A_396 = arith.constant 32 : index
        %get3A_397 = tpu.vector_load %arg6[%get3A_394, %get3A_395, %get3A_396] {strides = array<i32>} : memref<4x128x128xf32, #tpu.memory_space<vmem>>, vector<16xf32>,
        %mul3A_398 = arith.constant 8.000000e+00 : f32
        %mul3A_399 = vector.broadcast %mul3A_398 : f32 to vector<16xf32>
        %mul3A_400 = arith.mulf %get3A_397, %mul3A_399 : vector<16xf32>
        %swap3A_401 = arith.constant 0 : i32
        %swap3A_402 = arith.index_cast %swap3A_401 : i32 to index
        %swap3A_403 = arith.index_cast %add3A_366 : i32 to index
        %swap3A_404 = arith.constant 32 : index
        %swap3A_405 = tpu.vector_load %arg6[%swap3A_402, %swap3A_403, %swap3A_404] {strides = array<i32>} : memref<4x128x128xf32, #tpu.memory_space<vmem>>, vector<16xf32>,
        tpu.vector_store %arg6[%swap3A_402, %swap3A_403, %swap3A_404], %mul3A_400 {strides = array<i32>} : memref<4x128x128xf32, #tpu.memory_space<vmem>>, vector<16xf32>,
        %get3A_406 = arith.constant 0 : i32
        %get3A_407 = arith.index_cast %get3A_406 : i32 to index
        %get3A_408 = arith.index_cast %add3A_366 : i32 to index
        %get3A_409 = arith.constant 48 : index
        %get3A_410 = tpu.vector_load %arg6[%get3A_407, %get3A_408, %get3A_409] {strides = array<i32>} : memref<4x128x128xf32, #tpu.memory_space<vmem>>, vector<16xf32>,
        %mul3A_411 = arith.constant 8.000000e+00 : f32
        %mul3A_412 = vector.broadcast %mul3A_411 : f32 to vector<16xf32>
        %mul3A_413 = arith.mulf %get3A_410, %mul3A_412 : vector<16xf32>
        %swap3A_414 = arith.constant 0 : i32
        %swap3A_415 = arith.index_cast %swap3A_414 : i32 to index
        %swap3A_416 = arith.index_cast %add3A_366 : i32 to index
        %swap3A_417 = arith.constant 48 : index
        %swap3A_418 = tpu.vector_load %arg6[%swap3A_415, %swap3A_416, %swap3A_417] {strides = array<i32>} : memref<4x128x128xf32, #tpu.memory_space<vmem>>, vector<16xf32>,
        tpu.vector_store %arg6[%swap3A_415, %swap3A_416, %swap3A_417], %mul3A_413 {strides = array<i32>} : memref<4x128x128xf32, #tpu.memory_space<vmem>>, vector<16xf32>,
        %mul3A_419 = arith.constant 4 : i32
        %mul3A_420 = arith.muli %scan3A_308, %mul3A_419 : i32
        %add3A_421 = arith.constant 2 : i32
        %add3A_422 = arith.addi %mul3A_420, %add3A_421 : i32
        %get3A_423 = arith.constant 0 : i32
        %get3A_424 = arith.index_cast %get3A_423 : i32 to index
        %get3A_425 = arith.index_cast %add3A_422 : i32 to index
        %get3A_426 = arith.constant 0 : index
        %get3A_427 = tpu.vector_load %arg6[%get3A_424, %get3A_425, %get3A_426] {strides = array<i32>} : memref<4x128x128xf32, #tpu.memory_space<vmem>>, vector<16xf32>,
        %mul3A_428 = arith.constant 8.000000e+00 : f32
        %mul3A_429 = vector.broadcast %mul3A_428 : f32 to vector<16xf32>
        %mul3A_430 = arith.mulf %get3A_427, %mul3A_429 : vector<16xf32>
        %swap3A_431 = arith.constant 0 : i32
        %swap3A_432 = arith.index_cast %swap3A_431 : i32 to index
        %swap3A_433 = arith.index_cast %add3A_422 : i32 to index
        %swap3A_434 = arith.constant 0 : index
        %swap3A_435 = tpu.vector_load %arg6[%swap3A_432, %swap3A_433, %swap3A_434] {strides = array<i32>} : memref<4x128x128xf32, #tpu.memory_space<vmem>>, vector<16xf32>,
        tpu.vector_store %arg6[%swap3A_432, %swap3A_433, %swap3A_434], %mul3A_430 {strides = array<i32>} : memref<4x128x128xf32, #tpu.memory_space<vmem>>, vector<16xf32>,
        %get3A_436 = arith.constant 0 : i32
        %get3A_437 = arith.index_cast %get3A_436 : i32 to index
        %get3A_438 = arith.index_cast %add3A_422 : i32 to index
        %get3A_439 = arith.constant 16 : index
        %get3A_440 = tpu.vector_load %arg6[%get3A_437, %get3A_438, %get3A_439] {strides = array<i32>} : memref<4x128x128xf32, #tpu.memory_space<vmem>>, vector<16xf32>,
        %mul3A_441 = arith.constant 8.000000e+00 : f32
        %mul3A_442 = vector.broadcast %mul3A_441 : f32 to vector<16xf32>
        %mul3A_443 = arith.mulf %get3A_440, %mul3A_442 : vector<16xf32>
        %swap3A_444 = arith.constant 0 : i32
        %swap3A_445 = arith.index_cast %swap3A_444 : i32 to index
        %swap3A_446 = arith.index_cast %add3A_422 : i32 to index
        %swap3A_447 = arith.constant 16 : index
        %swap3A_448 = tpu.vector_load %arg6[%swap3A_445, %swap3A_446, %swap3A_447] {strides = array<i32>} : memref<4x128x128xf32, #tpu.memory_space<vmem>>, vector<16xf32>,
        tpu.vector_store %arg6[%swap3A_445, %swap3A_446, %swap3A_447], %mul3A_443 {strides = array<i32>} : memref<4x128x128xf32, #tpu.memory_space<vmem>>, vector<16xf32>,
        %get3A_449 = arith.constant 0 : i32
        %get3A_450 = arith.index_cast %get3A_449 : i32 to index
        %get3A_451 = arith.index_cast %add3A_422 : i32 to index
        %get3A_452 = arith.constant 32 : index
        %get3A_453 = tpu.vector_load %arg6[%get3A_450, %get3A_451, %get3A_452] {strides = array<i32>} : memref<4x128x128xf32, #tpu.memory_space<vmem>>, vector<16xf32>,
        %mul3A_454 = arith.constant 8.000000e+00 : f32
        %mul3A_455 = vector.broadcast %mul3A_454 : f32 to vector<16xf32>
        %mul3A_456 = arith.mulf %get3A_453, %mul3A_455 : vector<16xf32>
        %swap3A_457 = arith.constant 0 : i32
        %swap3A_458 = arith.index_cast %swap3A_457 : i32 to index
        %swap3A_459 = arith.index_cast %add3A_422 : i32 to index
        %swap3A_460 = arith.constant 32 : index
        %swap3A_461 = tpu.vector_load %arg6[%swap3A_458, %swap3A_459, %swap3A_460] {strides = array<i32>} : memref<4x128x128xf32, #tpu.memory_space<vmem>>, vector<16xf32>,
        tpu.vector_store %arg6[%swap3A_458, %swap3A_459, %swap3A_460], %mul3A_456 {strides = array<i32>} : memref<4x128x128xf32, #tpu.memory_space<vmem>>, vector<16xf32>,
        %get3A_462 = arith.constant 0 : i32
        %get3A_463 = arith.index_cast %get3A_462 : i32 to index
        %get3A_464 = arith.index_cast %add3A_422 : i32 to index
        %get3A_465 = arith.constant 48 : index
        %get3A_466 = tpu.vector_load %arg6[%get3A_463, %get3A_464, %get3A_465] {strides = array<i32>} : memref<4x128x128xf32, #tpu.memory_space<vmem>>, vector<16xf32>,
        %mul3A_467 = arith.constant 8.000000e+00 : f32
        %mul3A_468 = vector.broadcast %mul3A_467 : f32 to vector<16xf32>
        %mul3A_469 = arith.mulf %get3A_466, %mul3A_468 : vector<16xf32>
        %swap3A_470 = arith.constant 0 : i32
        %swap3A_471 = arith.index_cast %swap3A_470 : i32 to index
        %swap3A_472 = arith.index_cast %add3A_422 : i32 to index
        %swap3A_473 = arith.constant 48 : index
        %swap3A_474 = tpu.vector_load %arg6[%swap3A_471, %swap3A_472, %swap3A_473] {strides = array<i32>} : memref<4x128x128xf32, #tpu.memory_space<vmem>>, vector<16xf32>,
        tpu.vector_store %arg6[%swap3A_471, %swap3A_472, %swap3A_473], %mul3A_469 {strides = array<i32>} : memref<4x128x128xf32, #tpu.memory_space<vmem>>, vector<16xf32>,
        %mul3A_475 = arith.constant 4 : i32
        %mul3A_476 = arith.muli %scan3A_308, %mul3A_475 : i32
        %add3A_477 = arith.constant 3 : i32
        %add3A_478 = arith.addi %mul3A_476, %add3A_477 : i32
        %get3A_479 = arith.constant 0 : i32
        %get3A_480 = arith.index_cast %get3A_479 : i32 to index
        %get3A_481 = arith.index_cast %add3A_478 : i32 to index
        %get3A_482 = arith.constant 0 : index
        %get3A_483 = tpu.vector_load %arg6[%get3A_480, %get3A_481, %get3A_482] {strides = array<i32>} : memref<4x128x128xf32, #tpu.memory_space<vmem>>, vector<16xf32>,
        %mul3A_484 = arith.constant 8.000000e+00 : f32
        %mul3A_485 = vector.broadcast %mul3A_484 : f32 to vector<16xf32>
        %mul3A_486 = arith.mulf %get3A_483, %mul3A_485 : vector<16xf32>
        %swap3A_487 = arith.constant 0 : i32
        %swap3A_488 = arith.index_cast %swap3A_487 : i32 to index
        %swap3A_489 = arith.index_cast %add3A_478 : i32 to index
        %swap3A_490 = arith.constant 0 : index
        %swap3A_491 = tpu.vector_load %arg6[%swap3A_488, %swap3A_489, %swap3A_490] {strides = array<i32>} : memref<4x128x128xf32, #tpu.memory_space<vmem>>, vector<16xf32>,
        tpu.vector_store %arg6[%swap3A_488, %swap3A_489, %swap3A_490], %mul3A_486 {strides = array<i32>} : memref<4x128x128xf32, #tpu.memory_space<vmem>>, vector<16xf32>,
        %get3A_492 = arith.constant 0 : i32
        %get3A_493 = arith.index_cast %get3A_492 : i32 to index
        %get3A_494 = arith.index_cast %add3A_478 : i32 to index
        %get3A_495 = arith.constant 16 : index
        %get3A_496 = tpu.vector_load %arg6[%get3A_493, %get3A_494, %get3A_495] {strides = array<i32>} : memref<4x128x128xf32, #tpu.memory_space<vmem>>, vector<16xf32>,
        %mul3A_497 = arith.constant 8.000000e+00 : f32
        %mul3A_498 = vector.broadcast %mul3A_497 : f32 to vector<16xf32>
        %mul3A_499 = arith.mulf %get3A_496, %mul3A_498 : vector<16xf32>
        %swap3A_500 = arith.constant 0 : i32
        %swap3A_501 = arith.index_cast %swap3A_500 : i32 to index
        %swap3A_502 = arith.index_cast %add3A_478 : i32 to index
        %swap3A_503 = arith.constant 16 : index
        %swap3A_504 = tpu.vector_load %arg6[%swap3A_501, %swap3A_502, %swap3A_503] {strides = array<i32>} : memref<4x128x128xf32, #tpu.memory_space<vmem>>, vector<16xf32>,
        tpu.vector_store %arg6[%swap3A_501, %swap3A_502, %swap3A_503], %mul3A_499 {strides = array<i32>} : memref<4x128x128xf32, #tpu.memory_space<vmem>>, vector<16xf32>,
        %get3A_505 = arith.constant 0 : i32
        %get3A_506 = arith.index_cast %get3A_505 : i32 to index
        %get3A_507 = arith.index_cast %add3A_478 : i32 to index
        %get3A_508 = arith.constant 32 : index
        %get3A_509 = tpu.vector_load %arg6[%get3A_506, %get3A_507, %get3A_508] {strides = array<i32>} : memref<4x128x128xf32, #tpu.memory_space<vmem>>, vector<16xf32>,
        %mul3A_510 = arith.constant 8.000000e+00 : f32
        %mul3A_511 = vector.broadcast %mul3A_510 : f32 to vector<16xf32>
        %mul3A_512 = arith.mulf %get3A_509, %mul3A_511 : vector<16xf32>
        %swap3A_513 = arith.constant 0 : i32
        %swap3A_514 = arith.index_cast %swap3A_513 : i32 to index
        %swap3A_515 = arith.index_cast %add3A_478 : i32 to index
        %swap3A_516 = arith.constant 32 : index
        %swap3A_517 = tpu.vector_load %arg6[%swap3A_514, %swap3A_515, %swap3A_516] {strides = array<i32>} : memref<4x128x128xf32, #tpu.memory_space<vmem>>, vector<16xf32>,
        tpu.vector_store %arg6[%swap3A_514, %swap3A_515, %swap3A_516], %mul3A_512 {strides = array<i32>} : memref<4x128x128xf32, #tpu.memory_space<vmem>>, vector<16xf32>,
        %get3A_518 = arith.constant 0 : i32
        %get3A_519 = arith.index_cast %get3A_518 : i32 to index
        %get3A_520 = arith.index_cast %add3A_478 : i32 to index
        %get3A_521 = arith.constant 48 : index
        %get3A_522 = tpu.vector_load %arg6[%get3A_519, %get3A_520, %get3A_521] {strides = array<i32>} : memref<4x128x128xf32, #tpu.memory_space<vmem>>, vector<16xf32>,
        %mul3A_523 = arith.constant 8.000000e+00 : f32
        %mul3A_524 = vector.broadcast %mul3A_523 : f32 to vector<16xf32>
        %mul3A_525 = arith.mulf %get3A_522, %mul3A_524 : vector<16xf32>
        %swap3A_526 = arith.constant 0 : i32
        %swap3A_527 = arith.index_cast %swap3A_526 : i32 to index
        %swap3A_528 = arith.index_cast %add3A_478 : i32 to index
        %swap3A_529 = arith.constant 48 : index
        %swap3A_530 = tpu.vector_load %arg6[%swap3A_527, %swap3A_528, %swap3A_529] {strides = array<i32>} : memref<4x128x128xf32, #tpu.memory_space<vmem>>, vector<16xf32>,
        tpu.vector_store %arg6[%swap3A_527, %swap3A_528, %swap3A_529], %mul3A_525 {strides = array<i32>} : memref<4x128x128xf32, #tpu.memory_space<vmem>>, vector<16xf32>,
      }
      %scan3A_129 = arith.constant 32 : i32
      %mul3A_130 = arith.constant 200 : i32
      %mul3A_131 = arith.muli %mul3A_2, %mul3A_130 : i32
      %mul3A_132 = arith.constant 128 : i32
      %mul3A_133 = arith.muli %add3A_110, %mul3A_132 : i32
      %add3A_134 = arith.addi %mul3A_131, %mul3A_133 : i32
      %dma_start3A_135 = arith.constant 0 : i32
      %dma_start3A_136 = arith.constant 0 : i32
      %dma_start3A_137 = arith.constant 0 : i32
      %dma_start3A_138 = arith.constant 0 : i32
      %dma_start3A_139 = tpu.memref_slice %arg6[%dma_start3A_135, %dma_start3A_137, %dma_start3A_138] : memref<4x128x128xf32, #tpu.memory_space<vmem>> -> memref<1x128x128xf32, #tpu.memory_space<vmem>>
      %dma_start3A_140 = tpu.memref_squeeze %dma_start3A_139 : memref<1x128x128xf32, #tpu.memory_space<vmem>> -> memref<128x128xf32, #tpu.memory_space<vmem>>
      %dma_start3A_141 = arith.constant 0 : i32
      %dma_start3A_142 = tpu.memref_slice %arg4[%add3A_134, %dma_start3A_141] : memref<819200x128xf32, #tpu.memory_space<hbm>> -> memref<128x128xf32, #tpu.memory_space<hbm>>
      %dma_start3A_143 = tpu.memref_slice %arg8[%dma_start3A_136] : memref<4x!tpu.dma_semaphore, #tpu.memory_space<semaphore_mem>> -> memref<1x!tpu.dma_semaphore, #tpu.memory_space<semaphore_mem>>
      %dma_start3A_144 = tpu.memref_squeeze %dma_start3A_143 : memref<1x!tpu.dma_semaphore, #tpu.memory_space<semaphore_mem>> -> memref<!tpu.dma_semaphore, #tpu.memory_space<semaphore_mem>>
      %dma_start3A_145 = arith.constant 0 : i32
      %dma_start3A_146 = tpu.memref_slice %arg4[%add3A_134, %dma_start3A_145] : memref<819200x128xf32, #tpu.memory_space<hbm>> -> memref<128x128xf32, #tpu.memory_space<hbm>>
      %dma_start3A_147 = arith.constant 0 : i32
      %dma_start3A_148 = arith.constant 0 : i32
      %dma_start3A_149 = tpu.memref_slice %arg6[%dma_start3A_135, %dma_start3A_147, %dma_start3A_148] : memref<4x128x128xf32, #tpu.memory_space<vmem>> -> memref<1x128x128xf32, #tpu.memory_space<vmem>>
      %dma_start3A_150 = tpu.memref_squeeze %dma_start3A_149 : memref<1x128x128xf32, #tpu.memory_space<vmem>> -> memref<128x128xf32, #tpu.memory_space<vmem>>
      tpu.enqueue_dma source(%dma_start3A_150 : memref<128x128xf32, #tpu.memory_space<vmem>>) target(%dma_start3A_146 : memref<128x128xf32, #tpu.memory_space<hbm>>) target_semaphore(%dma_start3A_144 : memref<!tpu.dma_semaphore, #tpu.memory_space<semaphore_mem>>)
      %add3A_151 = arith.constant 2 : i32
      %add3A_152 = arith.addi %add3A_110, %add3A_151 : i32
      %lt3A = arith.constant 200 : i32
      %lt3A_153 = arith.cmpi slt, %add3A_152, %lt3A : i32
      %convert_element_type3A = arith.extui %lt3A_153 : i1 to i32
      %cond3A = arith.constant 0 : i32
      %cond3A_154 = arith.cmpi ne, %convert_element_type3A, %cond3A : i32
      scf.if %cond3A_154 {
        %ge3A = arith.constant 4 : i32
        %ge3A_308 = arith.cmpi sge, %add3A_152, %ge3A : i32
        %convert_element_type3A_309 = arith.extui %ge3A_308 : i1 to i32
        %cond3A_310 = arith.constant 0 : i32
        %cond3A_311 = arith.cmpi ne, %convert_element_type3A_309, %cond3A_310 : i32
        scf.if %cond3A_311 {
          %dma_wait3A_326 = arith.constant 2 : i32
          %dma_wait3A_327 = arith.constant 2 : i32
          %dma_wait3A_328 = arith.constant 0 : i32
          %dma_wait3A_329 = arith.constant 0 : i32
          %dma_wait3A_330 = tpu.memref_slice %arg6[%dma_wait3A_326, %dma_wait3A_328, %dma_wait3A_329] : memref<4x128x128xf32, #tpu.memory_space<vmem>> -> memref<1x128x128xf32, #tpu.memory_space<vmem>>
          %dma_wait3A_331 = tpu.memref_squeeze %dma_wait3A_330 : memref<1x128x128xf32, #tpu.memory_space<vmem>> -> memref<128x128xf32, #tpu.memory_space<vmem>>
          %dma_wait3A_332 = arith.constant 0 : i32
          %dma_wait3A_333 = arith.constant 0 : i32
          %dma_wait3A_334 = tpu.memref_slice %arg4[%dma_wait3A_332, %dma_wait3A_333] : memref<819200x128xf32, #tpu.memory_space<hbm>> -> memref<128x128xf32, #tpu.memory_space<hbm>>
          %dma_wait3A_335 = tpu.memref_slice %arg8[%dma_wait3A_327] : memref<4x!tpu.dma_semaphore, #tpu.memory_space<semaphore_mem>> -> memref<1x!tpu.dma_semaphore, #tpu.memory_space<semaphore_mem>>
          %dma_wait3A_336 = tpu.memref_squeeze %dma_wait3A_335 : memref<1x!tpu.dma_semaphore, #tpu.memory_space<semaphore_mem>> -> memref<!tpu.dma_semaphore, #tpu.memory_space<semaphore_mem>>
          %dma_wait3A_337 = arith.constant 0 : i32
          %dma_wait3A_338 = arith.constant 0 : i32
          %dma_wait3A_339 = tpu.memref_slice %arg4[%dma_wait3A_337, %dma_wait3A_338] : memref<819200x128xf32, #tpu.memory_space<hbm>> -> memref<128x128xf32, #tpu.memory_space<hbm>>
          %dma_wait3A_340 = arith.constant 0 : i32
          %dma_wait3A_341 = arith.constant 0 : i32
          %dma_wait3A_342 = tpu.memref_slice %arg6[%dma_wait3A_326, %dma_wait3A_340, %dma_wait3A_341] : memref<4x128x128xf32, #tpu.memory_space<vmem>> -> memref<1x128x128xf32, #tpu.memory_space<vmem>>
          %dma_wait3A_343 = tpu.memref_squeeze %dma_wait3A_342 : memref<1x128x128xf32, #tpu.memory_space<vmem>> -> memref<128x128xf32, #tpu.memory_space<vmem>>
          tpu.wait_dma2 semaphore(%dma_wait3A_336 : memref<!tpu.dma_semaphore, #tpu.memory_space<semaphore_mem>>) src(%dma_wait3A_343 : memref<128x128xf32, #tpu.memory_space<vmem>>) dst(%dma_wait3A_339 : memref<128x128xf32, #tpu.memory_space<hbm>>)
        } else {
        }
        %mul3A_312 = arith.constant 128 : i32
        %mul3A_313 = arith.muli %add3A_152, %mul3A_312 : i32
        %dma_start3A_314 = arith.constant 2 : i32
        %dma_start3A_315 = arith.constant 2 : i32
        %dma_start3A_316 = arith.constant 0 : i32
        %dma_start3A_317 = arith.constant 0 : i32
        %dma_start3A_318 = tpu.memref_slice %arg6[%dma_start3A_314, %dma_start3A_316, %dma_start3A_317] : memref<4x128x128xf32, #tpu.memory_space<vmem>> -> memref<1x128x128xf32, #tpu.memory_space<vmem>>
        %dma_start3A_319 = tpu.memref_squeeze %dma_start3A_318 : memref<1x128x128xf32, #tpu.memory_space<vmem>> -> memref<128x128xf32, #tpu.memory_space<vmem>>
        %dma_start3A_320 = tpu.memref_slice %arg5[%mul3A_313] : memref<25600xi32, #tpu.memory_space<vmem>> -> memref<128xi32, #tpu.memory_space<vmem>>
        %dma_start3A_321 = arith.constant 0 : i32
        %dma_start3A_322 = arith.constant 0 : i32
        %dma_start3A_323 = tpu.memref_slice %arg3[%dma_start3A_321, %dma_start3A_322] : memref<1000000x128xf32, #tpu.memory_space<hbm>> -> memref<1000000x128xf32, #tpu.memory_space<hbm>>
        %dma_start3A_324 = tpu.memref_slice %arg7[%dma_start3A_315] : memref<4x!tpu.dma_semaphore, #tpu.memory_space<semaphore_mem>> -> memref<1x!tpu.dma_semaphore, #tpu.memory_space<semaphore_mem>>
        %dma_start3A_325 = tpu.memref_squeeze %dma_start3A_324 : memref<1x!tpu.dma_semaphore, #tpu.memory_space<semaphore_mem>> -> memref<!tpu.dma_semaphore, #tpu.memory_space<semaphore_mem>>
        tpu.enqueue_indirect_dma source(%dma_start3A_323 : memref<1000000x128xf32, #tpu.memory_space<hbm>>) target(%dma_start3A_319 : memref<128x128xf32, #tpu.memory_space<vmem>>) offsets(%dma_start3A_320 : memref<128xi32, #tpu.memory_space<vmem>>) semaphore(%dma_start3A_325 : memref<!tpu.dma_semaphore, #tpu.memory_space<semaphore_mem>>)
      } else {
      }
      %mul3A_155 = arith.constant 4 : i32
      %mul3A_156 = arith.muli %scan3A_106, %mul3A_155 : i32
      %add3A_157 = arith.constant 1 : i32
      %add3A_158 = arith.addi %mul3A_156, %add3A_157 : i32
      %dma_wait3A_159 = arith.constant 1 : i32
      %dma_wait3A_160 = arith.constant 1 : i32
      %dma_wait3A_161 = arith.constant 0 : i32
      %dma_wait3A_162 = arith.constant 0 : i32
      %dma_wait3A_163 = tpu.memref_slice %arg6[%dma_wait3A_159, %dma_wait3A_161, %dma_wait3A_162] : memref<4x128x128xf32, #tpu.memory_space<vmem>> -> memref<1x128x128xf32, #tpu.memory_space<vmem>>
      %dma_wait3A_164 = tpu.memref_squeeze %dma_wait3A_163 : memref<1x128x128xf32, #tpu.memory_space<vmem>> -> memref<128x128xf32, #tpu.memory_space<vmem>>
      %dma_wait3A_165 = arith.constant 0 : i32
      %dma_wait3A_166 = tpu.memref_slice %arg5[%dma_wait3A_165] : memref<25600xi32, #tpu.memory_space<vmem>> -> memref<128xi32, #tpu.memory_space<vmem>>
      %dma_wait3A_167 = arith.constant 0 : i32
      %dma_wait3A_168 = arith.constant 0 : i32
      %dma_wait3A_169 = tpu.memref_slice %arg3[%dma_wait3A_167, %dma_wait3A_168] : memref<1000000x128xf32, #tpu.memory_space<hbm>> -> memref<1000000x128xf32, #tpu.memory_space<hbm>>
      %dma_wait3A_170 = tpu.memref_slice %arg7[%dma_wait3A_160] : memref<4x!tpu.dma_semaphore, #tpu.memory_space<semaphore_mem>> -> memref<1x!tpu.dma_semaphore, #tpu.memory_space<semaphore_mem>>
      %dma_wait3A_171 = tpu.memref_squeeze %dma_wait3A_170 : memref<1x!tpu.dma_semaphore, #tpu.memory_space<semaphore_mem>> -> memref<!tpu.dma_semaphore, #tpu.memory_space<semaphore_mem>>
      tpu.wait_indirect_dma semaphore(%dma_wait3A_171 : memref<!tpu.dma_semaphore, #tpu.memory_space<semaphore_mem>>) src(%dma_wait3A_169 : memref<1000000x128xf32, #tpu.memory_space<hbm>>) dst(%dma_wait3A_164 : memref<128x128xf32, #tpu.memory_space<vmem>>)
      %scan3A_172 = arith.constant 0 : i32
      %scan3A_173 = arith.constant 0 : i32
      %scan3A_174 = arith.constant 32 : i32
      %scan3A_175 = arith.addi %scan3A_173, %scan3A_174 : i32
      %scan3A_176 = arith.constant 1 : i32
      scf.for %scan3A_308 = %scan3A_173 to %scan3A_175 step %scan3A_176  : i32 {
        %mul3A_309 = arith.constant 4 : i32
        %mul3A_310 = arith.muli %scan3A_308, %mul3A_309 : i32
        %add3A_311 = arith.constant 0 : i32
        %add3A_312 = arith.addi %mul3A_310, %add3A_311 : i32
        %get3A = arith.constant 1 : i32
        %get3A_313 = arith.index_cast %get3A : i32 to index
        %get3A_314 = arith.index_cast %add3A_312 : i32 to index
        %get3A_315 = arith.constant 0 : index
        %get3A_316 = tpu.vector_load %arg6[%get3A_313, %get3A_314, %get3A_315] {strides = array<i32>} : memref<4x128x128xf32, #tpu.memory_space<vmem>>, vector<16xf32>,
        %mul3A_317 = arith.constant 8.000000e+00 : f32
        %mul3A_318 = vector.broadcast %mul3A_317 : f32 to vector<16xf32>
        %mul3A_319 = arith.mulf %get3A_316, %mul3A_318 : vector<16xf32>
        %swap3A = arith.constant 1 : i32
        %swap3A_320 = arith.index_cast %swap3A : i32 to index
        %swap3A_321 = arith.index_cast %add3A_312 : i32 to index
        %swap3A_322 = arith.constant 0 : index
        %swap3A_323 = tpu.vector_load %arg6[%swap3A_320, %swap3A_321, %swap3A_322] {strides = array<i32>} : memref<4x128x128xf32, #tpu.memory_space<vmem>>, vector<16xf32>,
        tpu.vector_store %arg6[%swap3A_320, %swap3A_321, %swap3A_322], %mul3A_319 {strides = array<i32>} : memref<4x128x128xf32, #tpu.memory_space<vmem>>, vector<16xf32>,
        %get3A_324 = arith.constant 1 : i32
        %get3A_325 = arith.index_cast %get3A_324 : i32 to index
        %get3A_326 = arith.index_cast %add3A_312 : i32 to index
        %get3A_327 = arith.constant 16 : index
        %get3A_328 = tpu.vector_load %arg6[%get3A_325, %get3A_326, %get3A_327] {strides = array<i32>} : memref<4x128x128xf32, #tpu.memory_space<vmem>>, vector<16xf32>,
        %mul3A_329 = arith.constant 8.000000e+00 : f32
        %mul3A_330 = vector.broadcast %mul3A_329 : f32 to vector<16xf32>
        %mul3A_331 = arith.mulf %get3A_328, %mul3A_330 : vector<16xf32>
        %swap3A_332 = arith.constant 1 : i32
        %swap3A_333 = arith.index_cast %swap3A_332 : i32 to index
        %swap3A_334 = arith.index_cast %add3A_312 : i32 to index
        %swap3A_335 = arith.constant 16 : index
        %swap3A_336 = tpu.vector_load %arg6[%swap3A_333, %swap3A_334, %swap3A_335] {strides = array<i32>} : memref<4x128x128xf32, #tpu.memory_space<vmem>>, vector<16xf32>,
        tpu.vector_store %arg6[%swap3A_333, %swap3A_334, %swap3A_335], %mul3A_331 {strides = array<i32>} : memref<4x128x128xf32, #tpu.memory_space<vmem>>, vector<16xf32>,
        %get3A_337 = arith.constant 1 : i32
        %get3A_338 = arith.index_cast %get3A_337 : i32 to index
        %get3A_339 = arith.index_cast %add3A_312 : i32 to index
        %get3A_340 = arith.constant 32 : index
        %get3A_341 = tpu.vector_load %arg6[%get3A_338, %get3A_339, %get3A_340] {strides = array<i32>} : memref<4x128x128xf32, #tpu.memory_space<vmem>>, vector<16xf32>,
        %mul3A_342 = arith.constant 8.000000e+00 : f32
        %mul3A_343 = vector.broadcast %mul3A_342 : f32 to vector<16xf32>
        %mul3A_344 = arith.mulf %get3A_341, %mul3A_343 : vector<16xf32>
        %swap3A_345 = arith.constant 1 : i32
        %swap3A_346 = arith.index_cast %swap3A_345 : i32 to index
        %swap3A_347 = arith.index_cast %add3A_312 : i32 to index
        %swap3A_348 = arith.constant 32 : index
        %swap3A_349 = tpu.vector_load %arg6[%swap3A_346, %swap3A_347, %swap3A_348] {strides = array<i32>} : memref<4x128x128xf32, #tpu.memory_space<vmem>>, vector<16xf32>,
        tpu.vector_store %arg6[%swap3A_346, %swap3A_347, %swap3A_348], %mul3A_344 {strides = array<i32>} : memref<4x128x128xf32, #tpu.memory_space<vmem>>, vector<16xf32>,
        %get3A_350 = arith.constant 1 : i32
        %get3A_351 = arith.index_cast %get3A_350 : i32 to index
        %get3A_352 = arith.index_cast %add3A_312 : i32 to index
        %get3A_353 = arith.constant 48 : index
        %get3A_354 = tpu.vector_load %arg6[%get3A_351, %get3A_352, %get3A_353] {strides = array<i32>} : memref<4x128x128xf32, #tpu.memory_space<vmem>>, vector<16xf32>,
        %mul3A_355 = arith.constant 8.000000e+00 : f32
        %mul3A_356 = vector.broadcast %mul3A_355 : f32 to vector<16xf32>
        %mul3A_357 = arith.mulf %get3A_354, %mul3A_356 : vector<16xf32>
        %swap3A_358 = arith.constant 1 : i32
        %swap3A_359 = arith.index_cast %swap3A_358 : i32 to index
        %swap3A_360 = arith.index_cast %add3A_312 : i32 to index
        %swap3A_361 = arith.constant 48 : index
        %swap3A_362 = tpu.vector_load %arg6[%swap3A_359, %swap3A_360, %swap3A_361] {strides = array<i32>} : memref<4x128x128xf32, #tpu.memory_space<vmem>>, vector<16xf32>,
        tpu.vector_store %arg6[%swap3A_359, %swap3A_360, %swap3A_361], %mul3A_357 {strides = array<i32>} : memref<4x128x128xf32, #tpu.memory_space<vmem>>, vector<16xf32>,
        %mul3A_363 = arith.constant 4 : i32
        %mul3A_364 = arith.muli %scan3A_308, %mul3A_363 : i32
        %add3A_365 = arith.constant 1 : i32
        %add3A_366 = arith.addi %mul3A_364, %add3A_365 : i32
        %get3A_367 = arith.constant 1 : i32
        %get3A_368 = arith.index_cast %get3A_367 : i32 to index
        %get3A_369 = arith.index_cast %add3A_366 : i32 to index
        %get3A_370 = arith.constant 0 : index
        %get3A_371 = tpu.vector_load %arg6[%get3A_368, %get3A_369, %get3A_370] {strides = array<i32>} : memref<4x128x128xf32, #tpu.memory_space<vmem>>, vector<16xf32>,
        %mul3A_372 = arith.constant 8.000000e+00 : f32
        %mul3A_373 = vector.broadcast %mul3A_372 : f32 to vector<16xf32>
        %mul3A_374 = arith.mulf %get3A_371, %mul3A_373 : vector<16xf32>
        %swap3A_375 = arith.constant 1 : i32
        %swap3A_376 = arith.index_cast %swap3A_375 : i32 to index
        %swap3A_377 = arith.index_cast %add3A_366 : i32 to index
        %swap3A_378 = arith.constant 0 : index
        %swap3A_379 = tpu.vector_load %arg6[%swap3A_376, %swap3A_377, %swap3A_378] {strides = array<i32>} : memref<4x128x128xf32, #tpu.memory_space<vmem>>, vector<16xf32>,
        tpu.vector_store %arg6[%swap3A_376, %swap3A_377, %swap3A_378], %mul3A_374 {strides = array<i32>} : memref<4x128x128xf32, #tpu.memory_space<vmem>>, vector<16xf32>,
        %get3A_380 = arith.constant 1 : i32
        %get3A_381 = arith.index_cast %get3A_380 : i32 to index
        %get3A_382 = arith.index_cast %add3A_366 : i32 to index
        %get3A_383 = arith.constant 16 : index
        %get3A_384 = tpu.vector_load %arg6[%get3A_381, %get3A_382, %get3A_383] {strides = array<i32>} : memref<4x128x128xf32, #tpu.memory_space<vmem>>, vector<16xf32>,
        %mul3A_385 = arith.constant 8.000000e+00 : f32
        %mul3A_386 = vector.broadcast %mul3A_385 : f32 to vector<16xf32>
        %mul3A_387 = arith.mulf %get3A_384, %mul3A_386 : vector<16xf32>
        %swap3A_388 = arith.constant 1 : i32
        %swap3A_389 = arith.index_cast %swap3A_388 : i32 to index
        %swap3A_390 = arith.index_cast %add3A_366 : i32 to index
        %swap3A_391 = arith.constant 16 : index
        %swap3A_392 = tpu.vector_load %arg6[%swap3A_389, %swap3A_390, %swap3A_391] {strides = array<i32>} : memref<4x128x128xf32, #tpu.memory_space<vmem>>, vector<16xf32>,
        tpu.vector_store %arg6[%swap3A_389, %swap3A_390, %swap3A_391], %mul3A_387 {strides = array<i32>} : memref<4x128x128xf32, #tpu.memory_space<vmem>>, vector<16xf32>,
        %get3A_393 = arith.constant 1 : i32
        %get3A_394 = arith.index_cast %get3A_393 : i32 to index
        %get3A_395 = arith.index_cast %add3A_366 : i32 to index
        %get3A_396 = arith.constant 32 : index
        %get3A_397 = tpu.vector_load %arg6[%get3A_394, %get3A_395, %get3A_396] {strides = array<i32>} : memref<4x128x128xf32, #tpu.memory_space<vmem>>, vector<16xf32>,
        %mul3A_398 = arith.constant 8.000000e+00 : f32
        %mul3A_399 = vector.broadcast %mul3A_398 : f32 to vector<16xf32>
        %mul3A_400 = arith.mulf %get3A_397, %mul3A_399 : vector<16xf32>
        %swap3A_401 = arith.constant 1 : i32
        %swap3A_402 = arith.index_cast %swap3A_401 : i32 to index
        %swap3A_403 = arith.index_cast %add3A_366 : i32 to index
        %swap3A_404 = arith.constant 32 : index
        %swap3A_405 = tpu.vector_load %arg6[%swap3A_402, %swap3A_403, %swap3A_404] {strides = array<i32>} : memref<4x128x128xf32, #tpu.memory_space<vmem>>, vector<16xf32>,
        tpu.vector_store %arg6[%swap3A_402, %swap3A_403, %swap3A_404], %mul3A_400 {strides = array<i32>} : memref<4x128x128xf32, #tpu.memory_space<vmem>>, vector<16xf32>,
        %get3A_406 = arith.constant 1 : i32
        %get3A_407 = arith.index_cast %get3A_406 : i32 to index
        %get3A_408 = arith.index_cast %add3A_366 : i32 to index
        %get3A_409 = arith.constant 48 : index
        %get3A_410 = tpu.vector_load %arg6[%get3A_407, %get3A_408, %get3A_409] {strides = array<i32>} : memref<4x128x128xf32, #tpu.memory_space<vmem>>, vector<16xf32>,
        %mul3A_411 = arith.constant 8.000000e+00 : f32
        %mul3A_412 = vector.broadcast %mul3A_411 : f32 to vector<16xf32>
        %mul3A_413 = arith.mulf %get3A_410, %mul3A_412 : vector<16xf32>
        %swap3A_414 = arith.constant 1 : i32
        %swap3A_415 = arith.index_cast %swap3A_414 : i32 to index
        %swap3A_416 = arith.index_cast %add3A_366 : i32 to index
        %swap3A_417 = arith.constant 48 : index
        %swap3A_418 = tpu.vector_load %arg6[%swap3A_415, %swap3A_416, %swap3A_417] {strides = array<i32>} : memref<4x128x128xf32, #tpu.memory_space<vmem>>, vector<16xf32>,
        tpu.vector_store %arg6[%swap3A_415, %swap3A_416, %swap3A_417], %mul3A_413 {strides = array<i32>} : memref<4x128x128xf32, #tpu.memory_space<vmem>>, vector<16xf32>,
        %mul3A_419 = arith.constant 4 : i32
        %mul3A_420 = arith.muli %scan3A_308, %mul3A_419 : i32
        %add3A_421 = arith.constant 2 : i32
        %add3A_422 = arith.addi %mul3A_420, %add3A_421 : i32
        %get3A_423 = arith.constant 1 : i32
        %get3A_424 = arith.index_cast %get3A_423 : i32 to index
        %get3A_425 = arith.index_cast %add3A_422 : i32 to index
        %get3A_426 = arith.constant 0 : index
        %get3A_427 = tpu.vector_load %arg6[%get3A_424, %get3A_425, %get3A_426] {strides = array<i32>} : memref<4x128x128xf32, #tpu.memory_space<vmem>>, vector<16xf32>,
        %mul3A_428 = arith.constant 8.000000e+00 : f32
        %mul3A_429 = vector.broadcast %mul3A_428 : f32 to vector<16xf32>
        %mul3A_430 = arith.mulf %get3A_427, %mul3A_429 : vector<16xf32>
        %swap3A_431 = arith.constant 1 : i32
        %swap3A_432 = arith.index_cast %swap3A_431 : i32 to index
        %swap3A_433 = arith.index_cast %add3A_422 : i32 to index
        %swap3A_434 = arith.constant 0 : index
        %swap3A_435 = tpu.vector_load %arg6[%swap3A_432, %swap3A_433, %swap3A_434] {strides = array<i32>} : memref<4x128x128xf32, #tpu.memory_space<vmem>>, vector<16xf32>,
        tpu.vector_store %arg6[%swap3A_432, %swap3A_433, %swap3A_434], %mul3A_430 {strides = array<i32>} : memref<4x128x128xf32, #tpu.memory_space<vmem>>, vector<16xf32>,
        %get3A_436 = arith.constant 1 : i32
        %get3A_437 = arith.index_cast %get3A_436 : i32 to index
        %get3A_438 = arith.index_cast %add3A_422 : i32 to index
        %get3A_439 = arith.constant 16 : index
        %get3A_440 = tpu.vector_load %arg6[%get3A_437, %get3A_438, %get3A_439] {strides = array<i32>} : memref<4x128x128xf32, #tpu.memory_space<vmem>>, vector<16xf32>,
        %mul3A_441 = arith.constant 8.000000e+00 : f32
        %mul3A_442 = vector.broadcast %mul3A_441 : f32 to vector<16xf32>
        %mul3A_443 = arith.mulf %get3A_440, %mul3A_442 : vector<16xf32>
        %swap3A_444 = arith.constant 1 : i32
        %swap3A_445 = arith.index_cast %swap3A_444 : i32 to index
        %swap3A_446 = arith.index_cast %add3A_422 : i32 to index
        %swap3A_447 = arith.constant 16 : index
        %swap3A_448 = tpu.vector_load %arg6[%swap3A_445, %swap3A_446, %swap3A_447] {strides = array<i32>} : memref<4x128x128xf32, #tpu.memory_space<vmem>>, vector<16xf32>,
        tpu.vector_store %arg6[%swap3A_445, %swap3A_446, %swap3A_447], %mul3A_443 {strides = array<i32>} : memref<4x128x128xf32, #tpu.memory_space<vmem>>, vector<16xf32>,
        %get3A_449 = arith.constant 1 : i32
        %get3A_450 = arith.index_cast %get3A_449 : i32 to index
        %get3A_451 = arith.index_cast %add3A_422 : i32 to index
        %get3A_452 = arith.constant 32 : index
        %get3A_453 = tpu.vector_load %arg6[%get3A_450, %get3A_451, %get3A_452] {strides = array<i32>} : memref<4x128x128xf32, #tpu.memory_space<vmem>>, vector<16xf32>,
        %mul3A_454 = arith.constant 8.000000e+00 : f32
        %mul3A_455 = vector.broadcast %mul3A_454 : f32 to vector<16xf32>
        %mul3A_456 = arith.mulf %get3A_453, %mul3A_455 : vector<16xf32>
        %swap3A_457 = arith.constant 1 : i32
        %swap3A_458 = arith.index_cast %swap3A_457 : i32 to index
        %swap3A_459 = arith.index_cast %add3A_422 : i32 to index
        %swap3A_460 = arith.constant 32 : index
        %swap3A_461 = tpu.vector_load %arg6[%swap3A_458, %swap3A_459, %swap3A_460] {strides = array<i32>} : memref<4x128x128xf32, #tpu.memory_space<vmem>>, vector<16xf32>,
        tpu.vector_store %arg6[%swap3A_458, %swap3A_459, %swap3A_460], %mul3A_456 {strides = array<i32>} : memref<4x128x128xf32, #tpu.memory_space<vmem>>, vector<16xf32>,
        %get3A_462 = arith.constant 1 : i32
        %get3A_463 = arith.index_cast %get3A_462 : i32 to index
        %get3A_464 = arith.index_cast %add3A_422 : i32 to index
        %get3A_465 = arith.constant 48 : index
        %get3A_466 = tpu.vector_load %arg6[%get3A_463, %get3A_464, %get3A_465] {strides = array<i32>} : memref<4x128x128xf32, #tpu.memory_space<vmem>>, vector<16xf32>,
        %mul3A_467 = arith.constant 8.000000e+00 : f32
        %mul3A_468 = vector.broadcast %mul3A_467 : f32 to vector<16xf32>
        %mul3A_469 = arith.mulf %get3A_466, %mul3A_468 : vector<16xf32>
        %swap3A_470 = arith.constant 1 : i32
        %swap3A_471 = arith.index_cast %swap3A_470 : i32 to index
        %swap3A_472 = arith.index_cast %add3A_422 : i32 to index
        %swap3A_473 = arith.constant 48 : index
        %swap3A_474 = tpu.vector_load %arg6[%swap3A_471, %swap3A_472, %swap3A_473] {strides = array<i32>} : memref<4x128x128xf32, #tpu.memory_space<vmem>>, vector<16xf32>,
        tpu.vector_store %arg6[%swap3A_471, %swap3A_472, %swap3A_473], %mul3A_469 {strides = array<i32>} : memref<4x128x128xf32, #tpu.memory_space<vmem>>, vector<16xf32>,
        %mul3A_475 = arith.constant 4 : i32
        %mul3A_476 = arith.muli %scan3A_308, %mul3A_475 : i32
        %add3A_477 = arith.constant 3 : i32
        %add3A_478 = arith.addi %mul3A_476, %add3A_477 : i32
        %get3A_479 = arith.constant 1 : i32
        %get3A_480 = arith.index_cast %get3A_479 : i32 to index
        %get3A_481 = arith.index_cast %add3A_478 : i32 to index
        %get3A_482 = arith.constant 0 : index
        %get3A_483 = tpu.vector_load %arg6[%get3A_480, %get3A_481, %get3A_482] {strides = array<i32>} : memref<4x128x128xf32, #tpu.memory_space<vmem>>, vector<16xf32>,
        %mul3A_484 = arith.constant 8.000000e+00 : f32
        %mul3A_485 = vector.broadcast %mul3A_484 : f32 to vector<16xf32>
        %mul3A_486 = arith.mulf %get3A_483, %mul3A_485 : vector<16xf32>
        %swap3A_487 = arith.constant 1 : i32
        %swap3A_488 = arith.index_cast %swap3A_487 : i32 to index
        %swap3A_489 = arith.index_cast %add3A_478 : i32 to index
        %swap3A_490 = arith.constant 0 : index
        %swap3A_491 = tpu.vector_load %arg6[%swap3A_488, %swap3A_489, %swap3A_490] {strides = array<i32>} : memref<4x128x128xf32, #tpu.memory_space<vmem>>, vector<16xf32>,
        tpu.vector_store %arg6[%swap3A_488, %swap3A_489, %swap3A_490], %mul3A_486 {strides = array<i32>} : memref<4x128x128xf32, #tpu.memory_space<vmem>>, vector<16xf32>,
        %get3A_492 = arith.constant 1 : i32
        %get3A_493 = arith.index_cast %get3A_492 : i32 to index
        %get3A_494 = arith.index_cast %add3A_478 : i32 to index
        %get3A_495 = arith.constant 16 : index
        %get3A_496 = tpu.vector_load %arg6[%get3A_493, %get3A_494, %get3A_495] {strides = array<i32>} : memref<4x128x128xf32, #tpu.memory_space<vmem>>, vector<16xf32>,
        %mul3A_497 = arith.constant 8.000000e+00 : f32
        %mul3A_498 = vector.broadcast %mul3A_497 : f32 to vector<16xf32>
        %mul3A_499 = arith.mulf %get3A_496, %mul3A_498 : vector<16xf32>
        %swap3A_500 = arith.constant 1 : i32
        %swap3A_501 = arith.index_cast %swap3A_500 : i32 to index
        %swap3A_502 = arith.index_cast %add3A_478 : i32 to index
        %swap3A_503 = arith.constant 16 : index
        %swap3A_504 = tpu.vector_load %arg6[%swap3A_501, %swap3A_502, %swap3A_503] {strides = array<i32>} : memref<4x128x128xf32, #tpu.memory_space<vmem>>, vector<16xf32>,
        tpu.vector_store %arg6[%swap3A_501, %swap3A_502, %swap3A_503], %mul3A_499 {strides = array<i32>} : memref<4x128x128xf32, #tpu.memory_space<vmem>>, vector<16xf32>,
        %get3A_505 = arith.constant 1 : i32
        %get3A_506 = arith.index_cast %get3A_505 : i32 to index
        %get3A_507 = arith.index_cast %add3A_478 : i32 to index
        %get3A_508 = arith.constant 32 : index
        %get3A_509 = tpu.vector_load %arg6[%get3A_506, %get3A_507, %get3A_508] {strides = array<i32>} : memref<4x128x128xf32, #tpu.memory_space<vmem>>, vector<16xf32>,
        %mul3A_510 = arith.constant 8.000000e+00 : f32
        %mul3A_511 = vector.broadcast %mul3A_510 : f32 to vector<16xf32>
        %mul3A_512 = arith.mulf %get3A_509, %mul3A_511 : vector<16xf32>
        %swap3A_513 = arith.constant 1 : i32
        %swap3A_514 = arith.index_cast %swap3A_513 : i32 to index
        %swap3A_515 = arith.index_cast %add3A_478 : i32 to index
        %swap3A_516 = arith.constant 32 : index
        %swap3A_517 = tpu.vector_load %arg6[%swap3A_514, %swap3A_515, %swap3A_516] {strides = array<i32>} : memref<4x128x128xf32, #tpu.memory_space<vmem>>, vector<16xf32>,
        tpu.vector_store %arg6[%swap3A_514, %swap3A_515, %swap3A_516], %mul3A_512 {strides = array<i32>} : memref<4x128x128xf32, #tpu.memory_space<vmem>>, vector<16xf32>,
        %get3A_518 = arith.constant 1 : i32
        %get3A_519 = arith.index_cast %get3A_518 : i32 to index
        %get3A_520 = arith.index_cast %add3A_478 : i32 to index
        %get3A_521 = arith.constant 48 : index
        %get3A_522 = tpu.vector_load %arg6[%get3A_519, %get3A_520, %get3A_521] {strides = array<i32>} : memref<4x128x128xf32, #tpu.memory_space<vmem>>, vector<16xf32>,
        %mul3A_523 = arith.constant 8.000000e+00 : f32
        %mul3A_524 = vector.broadcast %mul3A_523 : f32 to vector<16xf32>
        %mul3A_525 = arith.mulf %get3A_522, %mul3A_524 : vector<16xf32>
        %swap3A_526 = arith.constant 1 : i32
        %swap3A_527 = arith.index_cast %swap3A_526 : i32 to index
        %swap3A_528 = arith.index_cast %add3A_478 : i32 to index
        %swap3A_529 = arith.constant 48 : index
        %swap3A_530 = tpu.vector_load %arg6[%swap3A_527, %swap3A_528, %swap3A_529] {strides = array<i32>} : memref<4x128x128xf32, #tpu.memory_space<vmem>>, vector<16xf32>,
        tpu.vector_store %arg6[%swap3A_527, %swap3A_528, %swap3A_529], %mul3A_525 {strides = array<i32>} : memref<4x128x128xf32, #tpu.memory_space<vmem>>, vector<16xf32>,
      }
      %scan3A_177 = arith.constant 32 : i32
      %mul3A_178 = arith.constant 200 : i32
      %mul3A_179 = arith.muli %mul3A_2, %mul3A_178 : i32
      %mul3A_180 = arith.constant 128 : i32
      %mul3A_181 = arith.muli %add3A_158, %mul3A_180 : i32
      %add3A_182 = arith.addi %mul3A_179, %mul3A_181 : i32
      %dma_start3A_183 = arith.constant 1 : i32
      %dma_start3A_184 = arith.constant 1 : i32
      %dma_start3A_185 = arith.constant 0 : i32
      %dma_start3A_186 = arith.constant 0 : i32
      %dma_start3A_187 = tpu.memref_slice %arg6[%dma_start3A_183, %dma_start3A_185, %dma_start3A_186] : memref<4x128x128xf32, #tpu.memory_space<vmem>> -> memref<1x128x128xf32, #tpu.memory_space<vmem>>
      %dma_start3A_188 = tpu.memref_squeeze %dma_start3A_187 : memref<1x128x128xf32, #tpu.memory_space<vmem>> -> memref<128x128xf32, #tpu.memory_space<vmem>>
      %dma_start3A_189 = arith.constant 0 : i32
      %dma_start3A_190 = tpu.memref_slice %arg4[%add3A_182, %dma_start3A_189] : memref<819200x128xf32, #tpu.memory_space<hbm>> -> memref<128x128xf32, #tpu.memory_space<hbm>>
      %dma_start3A_191 = tpu.memref_slice %arg8[%dma_start3A_184] : memref<4x!tpu.dma_semaphore, #tpu.memory_space<semaphore_mem>> -> memref<1x!tpu.dma_semaphore, #tpu.memory_space<semaphore_mem>>
      %dma_start3A_192 = tpu.memref_squeeze %dma_start3A_191 : memref<1x!tpu.dma_semaphore, #tpu.memory_space<semaphore_mem>> -> memref<!tpu.dma_semaphore, #tpu.memory_space<semaphore_mem>>
      %dma_start3A_193 = arith.constant 0 : i32
      %dma_start3A_194 = tpu.memref_slice %arg4[%add3A_182, %dma_start3A_193] : memref<819200x128xf32, #tpu.memory_space<hbm>> -> memref<128x128xf32, #tpu.memory_space<hbm>>
      %dma_start3A_195 = arith.constant 0 : i32
      %dma_start3A_196 = arith.constant 0 : i32
      %dma_start3A_197 = tpu.memref_slice %arg6[%dma_start3A_183, %dma_start3A_195, %dma_start3A_196] : memref<4x128x128xf32, #tpu.memory_space<vmem>> -> memref<1x128x128xf32, #tpu.memory_space<vmem>>
      %dma_start3A_198 = tpu.memref_squeeze %dma_start3A_197 : memref<1x128x128xf32, #tpu.memory_space<vmem>> -> memref<128x128xf32, #tpu.memory_space<vmem>>
      tpu.enqueue_dma source(%dma_start3A_198 : memref<128x128xf32, #tpu.memory_space<vmem>>) target(%dma_start3A_194 : memref<128x128xf32, #tpu.memory_space<hbm>>) target_semaphore(%dma_start3A_192 : memref<!tpu.dma_semaphore, #tpu.memory_space<semaphore_mem>>)
      %add3A_199 = arith.constant 2 : i32
      %add3A_200 = arith.addi %add3A_158, %add3A_199 : i32
      %lt3A_201 = arith.constant 200 : i32
      %lt3A_202 = arith.cmpi slt, %add3A_200, %lt3A_201 : i32
      %convert_element_type3A_203 = arith.extui %lt3A_202 : i1 to i32
      %cond3A_204 = arith.constant 0 : i32
      %cond3A_205 = arith.cmpi ne, %convert_element_type3A_203, %cond3A_204 : i32
      scf.if %cond3A_205 {
        %ge3A = arith.constant 4 : i32
        %ge3A_308 = arith.cmpi sge, %add3A_200, %ge3A : i32
        %convert_element_type3A_309 = arith.extui %ge3A_308 : i1 to i32
        %cond3A_310 = arith.constant 0 : i32
        %cond3A_311 = arith.cmpi ne, %convert_element_type3A_309, %cond3A_310 : i32
        scf.if %cond3A_311 {
          %dma_wait3A_326 = arith.constant 3 : i32
          %dma_wait3A_327 = arith.constant 3 : i32
          %dma_wait3A_328 = arith.constant 0 : i32
          %dma_wait3A_329 = arith.constant 0 : i32
          %dma_wait3A_330 = tpu.memref_slice %arg6[%dma_wait3A_326, %dma_wait3A_328, %dma_wait3A_329] : memref<4x128x128xf32, #tpu.memory_space<vmem>> -> memref<1x128x128xf32, #tpu.memory_space<vmem>>
          %dma_wait3A_331 = tpu.memref_squeeze %dma_wait3A_330 : memref<1x128x128xf32, #tpu.memory_space<vmem>> -> memref<128x128xf32, #tpu.memory_space<vmem>>
          %dma_wait3A_332 = arith.constant 0 : i32
          %dma_wait3A_333 = arith.constant 0 : i32
          %dma_wait3A_334 = tpu.memref_slice %arg4[%dma_wait3A_332, %dma_wait3A_333] : memref<819200x128xf32, #tpu.memory_space<hbm>> -> memref<128x128xf32, #tpu.memory_space<hbm>>
          %dma_wait3A_335 = tpu.memref_slice %arg8[%dma_wait3A_327] : memref<4x!tpu.dma_semaphore, #tpu.memory_space<semaphore_mem>> -> memref<1x!tpu.dma_semaphore, #tpu.memory_space<semaphore_mem>>
          %dma_wait3A_336 = tpu.memref_squeeze %dma_wait3A_335 : memref<1x!tpu.dma_semaphore, #tpu.memory_space<semaphore_mem>> -> memref<!tpu.dma_semaphore, #tpu.memory_space<semaphore_mem>>
          %dma_wait3A_337 = arith.constant 0 : i32
          %dma_wait3A_338 = arith.constant 0 : i32
          %dma_wait3A_339 = tpu.memref_slice %arg4[%dma_wait3A_337, %dma_wait3A_338] : memref<819200x128xf32, #tpu.memory_space<hbm>> -> memref<128x128xf32, #tpu.memory_space<hbm>>
          %dma_wait3A_340 = arith.constant 0 : i32
          %dma_wait3A_341 = arith.constant 0 : i32
          %dma_wait3A_342 = tpu.memref_slice %arg6[%dma_wait3A_326, %dma_wait3A_340, %dma_wait3A_341] : memref<4x128x128xf32, #tpu.memory_space<vmem>> -> memref<1x128x128xf32, #tpu.memory_space<vmem>>
          %dma_wait3A_343 = tpu.memref_squeeze %dma_wait3A_342 : memref<1x128x128xf32, #tpu.memory_space<vmem>> -> memref<128x128xf32, #tpu.memory_space<vmem>>
          tpu.wait_dma2 semaphore(%dma_wait3A_336 : memref<!tpu.dma_semaphore, #tpu.memory_space<semaphore_mem>>) src(%dma_wait3A_343 : memref<128x128xf32, #tpu.memory_space<vmem>>) dst(%dma_wait3A_339 : memref<128x128xf32, #tpu.memory_space<hbm>>)
        } else {
        }
        %mul3A_312 = arith.constant 128 : i32
        %mul3A_313 = arith.muli %add3A_200, %mul3A_312 : i32
        %dma_start3A_314 = arith.constant 3 : i32
        %dma_start3A_315 = arith.constant 3 : i32
        %dma_start3A_316 = arith.constant 0 : i32
        %dma_start3A_317 = arith.constant 0 : i32
        %dma_start3A_318 = tpu.memref_slice %arg6[%dma_start3A_314, %dma_start3A_316, %dma_start3A_317] : memref<4x128x128xf32, #tpu.memory_space<vmem>> -> memref<1x128x128xf32, #tpu.memory_space<vmem>>
        %dma_start3A_319 = tpu.memref_squeeze %dma_start3A_318 : memref<1x128x128xf32, #tpu.memory_space<vmem>> -> memref<128x128xf32, #tpu.memory_space<vmem>>
        %dma_start3A_320 = tpu.memref_slice %arg5[%mul3A_313] : memref<25600xi32, #tpu.memory_space<vmem>> -> memref<128xi32, #tpu.memory_space<vmem>>
        %dma_start3A_321 = arith.constant 0 : i32
        %dma_start3A_322 = arith.constant 0 : i32
        %dma_start3A_323 = tpu.memref_slice %arg3[%dma_start3A_321, %dma_start3A_322] : memref<1000000x128xf32, #tpu.memory_space<hbm>> -> memref<1000000x128xf32, #tpu.memory_space<hbm>>
        %dma_start3A_324 = tpu.memref_slice %arg7[%dma_start3A_315] : memref<4x!tpu.dma_semaphore, #tpu.memory_space<semaphore_mem>> -> memref<1x!tpu.dma_semaphore, #tpu.memory_space<semaphore_mem>>
        %dma_start3A_325 = tpu.memref_squeeze %dma_start3A_324 : memref<1x!tpu.dma_semaphore, #tpu.memory_space<semaphore_mem>> -> memref<!tpu.dma_semaphore, #tpu.memory_space<semaphore_mem>>
        tpu.enqueue_indirect_dma source(%dma_start3A_323 : memref<1000000x128xf32, #tpu.memory_space<hbm>>) target(%dma_start3A_319 : memref<128x128xf32, #tpu.memory_space<vmem>>) offsets(%dma_start3A_320 : memref<128xi32, #tpu.memory_space<vmem>>) semaphore(%dma_start3A_325 : memref<!tpu.dma_semaphore, #tpu.memory_space<semaphore_mem>>)
      } else {
      }
      %mul3A_206 = arith.constant 4 : i32
      %mul3A_207 = arith.muli %scan3A_106, %mul3A_206 : i32
      %add3A_208 = arith.constant 2 : i32
      %add3A_209 = arith.addi %mul3A_207, %add3A_208 : i32
      %dma_wait3A_210 = arith.constant 2 : i32
      %dma_wait3A_211 = arith.constant 2 : i32
      %dma_wait3A_212 = arith.constant 0 : i32
      %dma_wait3A_213 = arith.constant 0 : i32
      %dma_wait3A_214 = tpu.memref_slice %arg6[%dma_wait3A_210, %dma_wait3A_212, %dma_wait3A_213] : memref<4x128x128xf32, #tpu.memory_space<vmem>> -> memref<1x128x128xf32, #tpu.memory_space<vmem>>
      %dma_wait3A_215 = tpu.memref_squeeze %dma_wait3A_214 : memref<1x128x128xf32, #tpu.memory_space<vmem>> -> memref<128x128xf32, #tpu.memory_space<vmem>>
      %dma_wait3A_216 = arith.constant 0 : i32
      %dma_wait3A_217 = tpu.memref_slice %arg5[%dma_wait3A_216] : memref<25600xi32, #tpu.memory_space<vmem>> -> memref<128xi32, #tpu.memory_space<vmem>>
      %dma_wait3A_218 = arith.constant 0 : i32
      %dma_wait3A_219 = arith.constant 0 : i32
      %dma_wait3A_220 = tpu.memref_slice %arg3[%dma_wait3A_218, %dma_wait3A_219] : memref<1000000x128xf32, #tpu.memory_space<hbm>> -> memref<1000000x128xf32, #tpu.memory_space<hbm>>
      %dma_wait3A_221 = tpu.memref_slice %arg7[%dma_wait3A_211] : memref<4x!tpu.dma_semaphore, #tpu.memory_space<semaphore_mem>> -> memref<1x!tpu.dma_semaphore, #tpu.memory_space<semaphore_mem>>
      %dma_wait3A_222 = tpu.memref_squeeze %dma_wait3A_221 : memref<1x!tpu.dma_semaphore, #tpu.memory_space<semaphore_mem>> -> memref<!tpu.dma_semaphore, #tpu.memory_space<semaphore_mem>>
      tpu.wait_indirect_dma semaphore(%dma_wait3A_222 : memref<!tpu.dma_semaphore, #tpu.memory_space<semaphore_mem>>) src(%dma_wait3A_220 : memref<1000000x128xf32, #tpu.memory_space<hbm>>) dst(%dma_wait3A_215 : memref<128x128xf32, #tpu.memory_space<vmem>>)
      %scan3A_223 = arith.constant 0 : i32
      %scan3A_224 = arith.constant 0 : i32
      %scan3A_225 = arith.constant 32 : i32
      %scan3A_226 = arith.addi %scan3A_224, %scan3A_225 : i32
      %scan3A_227 = arith.constant 1 : i32
      scf.for %scan3A_308 = %scan3A_224 to %scan3A_226 step %scan3A_227  : i32 {
        %mul3A_309 = arith.constant 4 : i32
        %mul3A_310 = arith.muli %scan3A_308, %mul3A_309 : i32
        %add3A_311 = arith.constant 0 : i32
        %add3A_312 = arith.addi %mul3A_310, %add3A_311 : i32
        %get3A = arith.constant 2 : i32
        %get3A_313 = arith.index_cast %get3A : i32 to index
        %get3A_314 = arith.index_cast %add3A_312 : i32 to index
        %get3A_315 = arith.constant 0 : index
        %get3A_316 = tpu.vector_load %arg6[%get3A_313, %get3A_314, %get3A_315] {strides = array<i32>} : memref<4x128x128xf32, #tpu.memory_space<vmem>>, vector<16xf32>,
        %mul3A_317 = arith.constant 8.000000e+00 : f32
        %mul3A_318 = vector.broadcast %mul3A_317 : f32 to vector<16xf32>
        %mul3A_319 = arith.mulf %get3A_316, %mul3A_318 : vector<16xf32>
        %swap3A = arith.constant 2 : i32
        %swap3A_320 = arith.index_cast %swap3A : i32 to index
        %swap3A_321 = arith.index_cast %add3A_312 : i32 to index
        %swap3A_322 = arith.constant 0 : index
        %swap3A_323 = tpu.vector_load %arg6[%swap3A_320, %swap3A_321, %swap3A_322] {strides = array<i32>} : memref<4x128x128xf32, #tpu.memory_space<vmem>>, vector<16xf32>,
        tpu.vector_store %arg6[%swap3A_320, %swap3A_321, %swap3A_322], %mul3A_319 {strides = array<i32>} : memref<4x128x128xf32, #tpu.memory_space<vmem>>, vector<16xf32>,
        %get3A_324 = arith.constant 2 : i32
        %get3A_325 = arith.index_cast %get3A_324 : i32 to index
        %get3A_326 = arith.index_cast %add3A_312 : i32 to index
        %get3A_327 = arith.constant 16 : index
        %get3A_328 = tpu.vector_load %arg6[%get3A_325, %get3A_326, %get3A_327] {strides = array<i32>} : memref<4x128x128xf32, #tpu.memory_space<vmem>>, vector<16xf32>,
        %mul3A_329 = arith.constant 8.000000e+00 : f32
        %mul3A_330 = vector.broadcast %mul3A_329 : f32 to vector<16xf32>
        %mul3A_331 = arith.mulf %get3A_328, %mul3A_330 : vector<16xf32>
        %swap3A_332 = arith.constant 2 : i32
        %swap3A_333 = arith.index_cast %swap3A_332 : i32 to index
        %swap3A_334 = arith.index_cast %add3A_312 : i32 to index
        %swap3A_335 = arith.constant 16 : index
        %swap3A_336 = tpu.vector_load %arg6[%swap3A_333, %swap3A_334, %swap3A_335] {strides = array<i32>} : memref<4x128x128xf32, #tpu.memory_space<vmem>>, vector<16xf32>,
        tpu.vector_store %arg6[%swap3A_333, %swap3A_334, %swap3A_335], %mul3A_331 {strides = array<i32>} : memref<4x128x128xf32, #tpu.memory_space<vmem>>, vector<16xf32>,
        %get3A_337 = arith.constant 2 : i32
        %get3A_338 = arith.index_cast %get3A_337 : i32 to index
        %get3A_339 = arith.index_cast %add3A_312 : i32 to index
        %get3A_340 = arith.constant 32 : index
        %get3A_341 = tpu.vector_load %arg6[%get3A_338, %get3A_339, %get3A_340] {strides = array<i32>} : memref<4x128x128xf32, #tpu.memory_space<vmem>>, vector<16xf32>,
        %mul3A_342 = arith.constant 8.000000e+00 : f32
        %mul3A_343 = vector.broadcast %mul3A_342 : f32 to vector<16xf32>
        %mul3A_344 = arith.mulf %get3A_341, %mul3A_343 : vector<16xf32>
        %swap3A_345 = arith.constant 2 : i32
        %swap3A_346 = arith.index_cast %swap3A_345 : i32 to index
        %swap3A_347 = arith.index_cast %add3A_312 : i32 to index
        %swap3A_348 = arith.constant 32 : index
        %swap3A_349 = tpu.vector_load %arg6[%swap3A_346, %swap3A_347, %swap3A_348] {strides = array<i32>} : memref<4x128x128xf32, #tpu.memory_space<vmem>>, vector<16xf32>,
        tpu.vector_store %arg6[%swap3A_346, %swap3A_347, %swap3A_348], %mul3A_344 {strides = array<i32>} : memref<4x128x128xf32, #tpu.memory_space<vmem>>, vector<16xf32>,
        %get3A_350 = arith.constant 2 : i32
        %get3A_351 = arith.index_cast %get3A_350 : i32 to index
        %get3A_352 = arith.index_cast %add3A_312 : i32 to index
        %get3A_353 = arith.constant 48 : index
        %get3A_354 = tpu.vector_load %arg6[%get3A_351, %get3A_352, %get3A_353] {strides = array<i32>} : memref<4x128x128xf32, #tpu.memory_space<vmem>>, vector<16xf32>,
        %mul3A_355 = arith.constant 8.000000e+00 : f32
        %mul3A_356 = vector.broadcast %mul3A_355 : f32 to vector<16xf32>
        %mul3A_357 = arith.mulf %get3A_354, %mul3A_356 : vector<16xf32>
        %swap3A_358 = arith.constant 2 : i32
        %swap3A_359 = arith.index_cast %swap3A_358 : i32 to index
        %swap3A_360 = arith.index_cast %add3A_312 : i32 to index
        %swap3A_361 = arith.constant 48 : index
        %swap3A_362 = tpu.vector_load %arg6[%swap3A_359, %swap3A_360, %swap3A_361] {strides = array<i32>} : memref<4x128x128xf32, #tpu.memory_space<vmem>>, vector<16xf32>,
        tpu.vector_store %arg6[%swap3A_359, %swap3A_360, %swap3A_361], %mul3A_357 {strides = array<i32>} : memref<4x128x128xf32, #tpu.memory_space<vmem>>, vector<16xf32>,
        %mul3A_363 = arith.constant 4 : i32
        %mul3A_364 = arith.muli %scan3A_308, %mul3A_363 : i32
        %add3A_365 = arith.constant 1 : i32
        %add3A_366 = arith.addi %mul3A_364, %add3A_365 : i32
        %get3A_367 = arith.constant 2 : i32
        %get3A_368 = arith.index_cast %get3A_367 : i32 to index
        %get3A_369 = arith.index_cast %add3A_366 : i32 to index
        %get3A_370 = arith.constant 0 : index
        %get3A_371 = tpu.vector_load %arg6[%get3A_368, %get3A_369, %get3A_370] {strides = array<i32>} : memref<4x128x128xf32, #tpu.memory_space<vmem>>, vector<16xf32>,
        %mul3A_372 = arith.constant 8.000000e+00 : f32
        %mul3A_373 = vector.broadcast %mul3A_372 : f32 to vector<16xf32>
        %mul3A_374 = arith.mulf %get3A_371, %mul3A_373 : vector<16xf32>
        %swap3A_375 = arith.constant 2 : i32
        %swap3A_376 = arith.index_cast %swap3A_375 : i32 to index
        %swap3A_377 = arith.index_cast %add3A_366 : i32 to index
        %swap3A_378 = arith.constant 0 : index
        %swap3A_379 = tpu.vector_load %arg6[%swap3A_376, %swap3A_377, %swap3A_378] {strides = array<i32>} : memref<4x128x128xf32, #tpu.memory_space<vmem>>, vector<16xf32>,
        tpu.vector_store %arg6[%swap3A_376, %swap3A_377, %swap3A_378], %mul3A_374 {strides = array<i32>} : memref<4x128x128xf32, #tpu.memory_space<vmem>>, vector<16xf32>,
        %get3A_380 = arith.constant 2 : i32
        %get3A_381 = arith.index_cast %get3A_380 : i32 to index
        %get3A_382 = arith.index_cast %add3A_366 : i32 to index
        %get3A_383 = arith.constant 16 : index
        %get3A_384 = tpu.vector_load %arg6[%get3A_381, %get3A_382, %get3A_383] {strides = array<i32>} : memref<4x128x128xf32, #tpu.memory_space<vmem>>, vector<16xf32>,
        %mul3A_385 = arith.constant 8.000000e+00 : f32
        %mul3A_386 = vector.broadcast %mul3A_385 : f32 to vector<16xf32>
        %mul3A_387 = arith.mulf %get3A_384, %mul3A_386 : vector<16xf32>
        %swap3A_388 = arith.constant 2 : i32
        %swap3A_389 = arith.index_cast %swap3A_388 : i32 to index
        %swap3A_390 = arith.index_cast %add3A_366 : i32 to index
        %swap3A_391 = arith.constant 16 : index
        %swap3A_392 = tpu.vector_load %arg6[%swap3A_389, %swap3A_390, %swap3A_391] {strides = array<i32>} : memref<4x128x128xf32, #tpu.memory_space<vmem>>, vector<16xf32>,
        tpu.vector_store %arg6[%swap3A_389, %swap3A_390, %swap3A_391], %mul3A_387 {strides = array<i32>} : memref<4x128x128xf32, #tpu.memory_space<vmem>>, vector<16xf32>,
        %get3A_393 = arith.constant 2 : i32
        %get3A_394 = arith.index_cast %get3A_393 : i32 to index
        %get3A_395 = arith.index_cast %add3A_366 : i32 to index
        %get3A_396 = arith.constant 32 : index
        %get3A_397 = tpu.vector_load %arg6[%get3A_394, %get3A_395, %get3A_396] {strides = array<i32>} : memref<4x128x128xf32, #tpu.memory_space<vmem>>, vector<16xf32>,
        %mul3A_398 = arith.constant 8.000000e+00 : f32
        %mul3A_399 = vector.broadcast %mul3A_398 : f32 to vector<16xf32>
        %mul3A_400 = arith.mulf %get3A_397, %mul3A_399 : vector<16xf32>
        %swap3A_401 = arith.constant 2 : i32
        %swap3A_402 = arith.index_cast %swap3A_401 : i32 to index
        %swap3A_403 = arith.index_cast %add3A_366 : i32 to index
        %swap3A_404 = arith.constant 32 : index
        %swap3A_405 = tpu.vector_load %arg6[%swap3A_402, %swap3A_403, %swap3A_404] {strides = array<i32>} : memref<4x128x128xf32, #tpu.memory_space<vmem>>, vector<16xf32>,
        tpu.vector_store %arg6[%swap3A_402, %swap3A_403, %swap3A_404], %mul3A_400 {strides = array<i32>} : memref<4x128x128xf32, #tpu.memory_space<vmem>>, vector<16xf32>,
        %get3A_406 = arith.constant 2 : i32
        %get3A_407 = arith.index_cast %get3A_406 : i32 to index
        %get3A_408 = arith.index_cast %add3A_366 : i32 to index
        %get3A_409 = arith.constant 48 : index
        %get3A_410 = tpu.vector_load %arg6[%get3A_407, %get3A_408, %get3A_409] {strides = array<i32>} : memref<4x128x128xf32, #tpu.memory_space<vmem>>, vector<16xf32>,
        %mul3A_411 = arith.constant 8.000000e+00 : f32
        %mul3A_412 = vector.broadcast %mul3A_411 : f32 to vector<16xf32>
        %mul3A_413 = arith.mulf %get3A_410, %mul3A_412 : vector<16xf32>
        %swap3A_414 = arith.constant 2 : i32
        %swap3A_415 = arith.index_cast %swap3A_414 : i32 to index
        %swap3A_416 = arith.index_cast %add3A_366 : i32 to index
        %swap3A_417 = arith.constant 48 : index
        %swap3A_418 = tpu.vector_load %arg6[%swap3A_415, %swap3A_416, %swap3A_417] {strides = array<i32>} : memref<4x128x128xf32, #tpu.memory_space<vmem>>, vector<16xf32>,
        tpu.vector_store %arg6[%swap3A_415, %swap3A_416, %swap3A_417], %mul3A_413 {strides = array<i32>} : memref<4x128x128xf32, #tpu.memory_space<vmem>>, vector<16xf32>,
        %mul3A_419 = arith.constant 4 : i32
        %mul3A_420 = arith.muli %scan3A_308, %mul3A_419 : i32
        %add3A_421 = arith.constant 2 : i32
        %add3A_422 = arith.addi %mul3A_420, %add3A_421 : i32
        %get3A_423 = arith.constant 2 : i32
        %get3A_424 = arith.index_cast %get3A_423 : i32 to index
        %get3A_425 = arith.index_cast %add3A_422 : i32 to index
        %get3A_426 = arith.constant 0 : index
        %get3A_427 = tpu.vector_load %arg6[%get3A_424, %get3A_425, %get3A_426] {strides = array<i32>} : memref<4x128x128xf32, #tpu.memory_space<vmem>>, vector<16xf32>,
        %mul3A_428 = arith.constant 8.000000e+00 : f32
        %mul3A_429 = vector.broadcast %mul3A_428 : f32 to vector<16xf32>
        %mul3A_430 = arith.mulf %get3A_427, %mul3A_429 : vector<16xf32>
        %swap3A_431 = arith.constant 2 : i32
        %swap3A_432 = arith.index_cast %swap3A_431 : i32 to index
        %swap3A_433 = arith.index_cast %add3A_422 : i32 to index
        %swap3A_434 = arith.constant 0 : index
        %swap3A_435 = tpu.vector_load %arg6[%swap3A_432, %swap3A_433, %swap3A_434] {strides = array<i32>} : memref<4x128x128xf32, #tpu.memory_space<vmem>>, vector<16xf32>,
        tpu.vector_store %arg6[%swap3A_432, %swap3A_433, %swap3A_434], %mul3A_430 {strides = array<i32>} : memref<4x128x128xf32, #tpu.memory_space<vmem>>, vector<16xf32>,
        %get3A_436 = arith.constant 2 : i32
        %get3A_437 = arith.index_cast %get3A_436 : i32 to index
        %get3A_438 = arith.index_cast %add3A_422 : i32 to index
        %get3A_439 = arith.constant 16 : index
        %get3A_440 = tpu.vector_load %arg6[%get3A_437, %get3A_438, %get3A_439] {strides = array<i32>} : memref<4x128x128xf32, #tpu.memory_space<vmem>>, vector<16xf32>,
        %mul3A_441 = arith.constant 8.000000e+00 : f32
        %mul3A_442 = vector.broadcast %mul3A_441 : f32 to vector<16xf32>
        %mul3A_443 = arith.mulf %get3A_440, %mul3A_442 : vector<16xf32>
        %swap3A_444 = arith.constant 2 : i32
        %swap3A_445 = arith.index_cast %swap3A_444 : i32 to index
        %swap3A_446 = arith.index_cast %add3A_422 : i32 to index
        %swap3A_447 = arith.constant 16 : index
        %swap3A_448 = tpu.vector_load %arg6[%swap3A_445, %swap3A_446, %swap3A_447] {strides = array<i32>} : memref<4x128x128xf32, #tpu.memory_space<vmem>>, vector<16xf32>,
        tpu.vector_store %arg6[%swap3A_445, %swap3A_446, %swap3A_447], %mul3A_443 {strides = array<i32>} : memref<4x128x128xf32, #tpu.memory_space<vmem>>, vector<16xf32>,
        %get3A_449 = arith.constant 2 : i32
        %get3A_450 = arith.index_cast %get3A_449 : i32 to index
        %get3A_451 = arith.index_cast %add3A_422 : i32 to index
        %get3A_452 = arith.constant 32 : index
        %get3A_453 = tpu.vector_load %arg6[%get3A_450, %get3A_451, %get3A_452] {strides = array<i32>} : memref<4x128x128xf32, #tpu.memory_space<vmem>>, vector<16xf32>,
        %mul3A_454 = arith.constant 8.000000e+00 : f32
        %mul3A_455 = vector.broadcast %mul3A_454 : f32 to vector<16xf32>
        %mul3A_456 = arith.mulf %get3A_453, %mul3A_455 : vector<16xf32>
        %swap3A_457 = arith.constant 2 : i32
        %swap3A_458 = arith.index_cast %swap3A_457 : i32 to index
        %swap3A_459 = arith.index_cast %add3A_422 : i32 to index
        %swap3A_460 = arith.constant 32 : index
        %swap3A_461 = tpu.vector_load %arg6[%swap3A_458, %swap3A_459, %swap3A_460] {strides = array<i32>} : memref<4x128x128xf32, #tpu.memory_space<vmem>>, vector<16xf32>,
        tpu.vector_store %arg6[%swap3A_458, %swap3A_459, %swap3A_460], %mul3A_456 {strides = array<i32>} : memref<4x128x128xf32, #tpu.memory_space<vmem>>, vector<16xf32>,
        %get3A_462 = arith.constant 2 : i32
        %get3A_463 = arith.index_cast %get3A_462 : i32 to index
        %get3A_464 = arith.index_cast %add3A_422 : i32 to index
        %get3A_465 = arith.constant 48 : index
        %get3A_466 = tpu.vector_load %arg6[%get3A_463, %get3A_464, %get3A_465] {strides = array<i32>} : memref<4x128x128xf32, #tpu.memory_space<vmem>>, vector<16xf32>,
        %mul3A_467 = arith.constant 8.000000e+00 : f32
        %mul3A_468 = vector.broadcast %mul3A_467 : f32 to vector<16xf32>
        %mul3A_469 = arith.mulf %get3A_466, %mul3A_468 : vector<16xf32>
        %swap3A_470 = arith.constant 2 : i32
        %swap3A_471 = arith.index_cast %swap3A_470 : i32 to index
        %swap3A_472 = arith.index_cast %add3A_422 : i32 to index
        %swap3A_473 = arith.constant 48 : index
        %swap3A_474 = tpu.vector_load %arg6[%swap3A_471, %swap3A_472, %swap3A_473] {strides = array<i32>} : memref<4x128x128xf32, #tpu.memory_space<vmem>>, vector<16xf32>,
        tpu.vector_store %arg6[%swap3A_471, %swap3A_472, %swap3A_473], %mul3A_469 {strides = array<i32>} : memref<4x128x128xf32, #tpu.memory_space<vmem>>, vector<16xf32>,
        %mul3A_475 = arith.constant 4 : i32
        %mul3A_476 = arith.muli %scan3A_308, %mul3A_475 : i32
        %add3A_477 = arith.constant 3 : i32
        %add3A_478 = arith.addi %mul3A_476, %add3A_477 : i32
        %get3A_479 = arith.constant 2 : i32
        %get3A_480 = arith.index_cast %get3A_479 : i32 to index
        %get3A_481 = arith.index_cast %add3A_478 : i32 to index
        %get3A_482 = arith.constant 0 : index
        %get3A_483 = tpu.vector_load %arg6[%get3A_480, %get3A_481, %get3A_482] {strides = array<i32>} : memref<4x128x128xf32, #tpu.memory_space<vmem>>, vector<16xf32>,
        %mul3A_484 = arith.constant 8.000000e+00 : f32
        %mul3A_485 = vector.broadcast %mul3A_484 : f32 to vector<16xf32>
        %mul3A_486 = arith.mulf %get3A_483, %mul3A_485 : vector<16xf32>
        %swap3A_487 = arith.constant 2 : i32
        %swap3A_488 = arith.index_cast %swap3A_487 : i32 to index
        %swap3A_489 = arith.index_cast %add3A_478 : i32 to index
        %swap3A_490 = arith.constant 0 : index
        %swap3A_491 = tpu.vector_load %arg6[%swap3A_488, %swap3A_489, %swap3A_490] {strides = array<i32>} : memref<4x128x128xf32, #tpu.memory_space<vmem>>, vector<16xf32>,
        tpu.vector_store %arg6[%swap3A_488, %swap3A_489, %swap3A_490], %mul3A_486 {strides = array<i32>} : memref<4x128x128xf32, #tpu.memory_space<vmem>>, vector<16xf32>,
        %get3A_492 = arith.constant 2 : i32
        %get3A_493 = arith.index_cast %get3A_492 : i32 to index
        %get3A_494 = arith.index_cast %add3A_478 : i32 to index
        %get3A_495 = arith.constant 16 : index
        %get3A_496 = tpu.vector_load %arg6[%get3A_493, %get3A_494, %get3A_495] {strides = array<i32>} : memref<4x128x128xf32, #tpu.memory_space<vmem>>, vector<16xf32>,
        %mul3A_497 = arith.constant 8.000000e+00 : f32
        %mul3A_498 = vector.broadcast %mul3A_497 : f32 to vector<16xf32>
        %mul3A_499 = arith.mulf %get3A_496, %mul3A_498 : vector<16xf32>
        %swap3A_500 = arith.constant 2 : i32
        %swap3A_501 = arith.index_cast %swap3A_500 : i32 to index
        %swap3A_502 = arith.index_cast %add3A_478 : i32 to index
        %swap3A_503 = arith.constant 16 : index
        %swap3A_504 = tpu.vector_load %arg6[%swap3A_501, %swap3A_502, %swap3A_503] {strides = array<i32>} : memref<4x128x128xf32, #tpu.memory_space<vmem>>, vector<16xf32>,
        tpu.vector_store %arg6[%swap3A_501, %swap3A_502, %swap3A_503], %mul3A_499 {strides = array<i32>} : memref<4x128x128xf32, #tpu.memory_space<vmem>>, vector<16xf32>,
        %get3A_505 = arith.constant 2 : i32
        %get3A_506 = arith.index_cast %get3A_505 : i32 to index
        %get3A_507 = arith.index_cast %add3A_478 : i32 to index
        %get3A_508 = arith.constant 32 : index
        %get3A_509 = tpu.vector_load %arg6[%get3A_506, %get3A_507, %get3A_508] {strides = array<i32>} : memref<4x128x128xf32, #tpu.memory_space<vmem>>, vector<16xf32>,
        %mul3A_510 = arith.constant 8.000000e+00 : f32
        %mul3A_511 = vector.broadcast %mul3A_510 : f32 to vector<16xf32>
        %mul3A_512 = arith.mulf %get3A_509, %mul3A_511 : vector<16xf32>
        %swap3A_513 = arith.constant 2 : i32
        %swap3A_514 = arith.index_cast %swap3A_513 : i32 to index
        %swap3A_515 = arith.index_cast %add3A_478 : i32 to index
        %swap3A_516 = arith.constant 32 : index
        %swap3A_517 = tpu.vector_load %arg6[%swap3A_514, %swap3A_515, %swap3A_516] {strides = array<i32>} : memref<4x128x128xf32, #tpu.memory_space<vmem>>, vector<16xf32>,
        tpu.vector_store %arg6[%swap3A_514, %swap3A_515, %swap3A_516], %mul3A_512 {strides = array<i32>} : memref<4x128x128xf32, #tpu.memory_space<vmem>>, vector<16xf32>,
        %get3A_518 = arith.constant 2 : i32
        %get3A_519 = arith.index_cast %get3A_518 : i32 to index
        %get3A_520 = arith.index_cast %add3A_478 : i32 to index
        %get3A_521 = arith.constant 48 : index
        %get3A_522 = tpu.vector_load %arg6[%get3A_519, %get3A_520, %get3A_521] {strides = array<i32>} : memref<4x128x128xf32, #tpu.memory_space<vmem>>, vector<16xf32>,
        %mul3A_523 = arith.constant 8.000000e+00 : f32
        %mul3A_524 = vector.broadcast %mul3A_523 : f32 to vector<16xf32>
        %mul3A_525 = arith.mulf %get3A_522, %mul3A_524 : vector<16xf32>
        %swap3A_526 = arith.constant 2 : i32
        %swap3A_527 = arith.index_cast %swap3A_526 : i32 to index
        %swap3A_528 = arith.index_cast %add3A_478 : i32 to index
        %swap3A_529 = arith.constant 48 : index
        %swap3A_530 = tpu.vector_load %arg6[%swap3A_527, %swap3A_528, %swap3A_529] {strides = array<i32>} : memref<4x128x128xf32, #tpu.memory_space<vmem>>, vector<16xf32>,
        tpu.vector_store %arg6[%swap3A_527, %swap3A_528, %swap3A_529], %mul3A_525 {strides = array<i32>} : memref<4x128x128xf32, #tpu.memory_space<vmem>>, vector<16xf32>,
      }
      %scan3A_228 = arith.constant 32 : i32
      %mul3A_229 = arith.constant 200 : i32
      %mul3A_230 = arith.muli %mul3A_2, %mul3A_229 : i32
      %mul3A_231 = arith.constant 128 : i32
      %mul3A_232 = arith.muli %add3A_209, %mul3A_231 : i32
      %add3A_233 = arith.addi %mul3A_230, %mul3A_232 : i32
      %dma_start3A_234 = arith.constant 2 : i32
      %dma_start3A_235 = arith.constant 2 : i32
      %dma_start3A_236 = arith.constant 0 : i32
      %dma_start3A_237 = arith.constant 0 : i32
      %dma_start3A_238 = tpu.memref_slice %arg6[%dma_start3A_234, %dma_start3A_236, %dma_start3A_237] : memref<4x128x128xf32, #tpu.memory_space<vmem>> -> memref<1x128x128xf32, #tpu.memory_space<vmem>>
      %dma_start3A_239 = tpu.memref_squeeze %dma_start3A_238 : memref<1x128x128xf32, #tpu.memory_space<vmem>> -> memref<128x128xf32, #tpu.memory_space<vmem>>
      %dma_start3A_240 = arith.constant 0 : i32
      %dma_start3A_241 = tpu.memref_slice %arg4[%add3A_233, %dma_start3A_240] : memref<819200x128xf32, #tpu.memory_space<hbm>> -> memref<128x128xf32, #tpu.memory_space<hbm>>
      %dma_start3A_242 = tpu.memref_slice %arg8[%dma_start3A_235] : memref<4x!tpu.dma_semaphore, #tpu.memory_space<semaphore_mem>> -> memref<1x!tpu.dma_semaphore, #tpu.memory_space<semaphore_mem>>
      %dma_start3A_243 = tpu.memref_squeeze %dma_start3A_242 : memref<1x!tpu.dma_semaphore, #tpu.memory_space<semaphore_mem>> -> memref<!tpu.dma_semaphore, #tpu.memory_space<semaphore_mem>>
      %dma_start3A_244 = arith.constant 0 : i32
      %dma_start3A_245 = tpu.memref_slice %arg4[%add3A_233, %dma_start3A_244] : memref<819200x128xf32, #tpu.memory_space<hbm>> -> memref<128x128xf32, #tpu.memory_space<hbm>>
      %dma_start3A_246 = arith.constant 0 : i32
      %dma_start3A_247 = arith.constant 0 : i32
      %dma_start3A_248 = tpu.memref_slice %arg6[%dma_start3A_234, %dma_start3A_246, %dma_start3A_247] : memref<4x128x128xf32, #tpu.memory_space<vmem>> -> memref<1x128x128xf32, #tpu.memory_space<vmem>>
      %dma_start3A_249 = tpu.memref_squeeze %dma_start3A_248 : memref<1x128x128xf32, #tpu.memory_space<vmem>> -> memref<128x128xf32, #tpu.memory_space<vmem>>
      tpu.enqueue_dma source(%dma_start3A_249 : memref<128x128xf32, #tpu.memory_space<vmem>>) target(%dma_start3A_245 : memref<128x128xf32, #tpu.memory_space<hbm>>) target_semaphore(%dma_start3A_243 : memref<!tpu.dma_semaphore, #tpu.memory_space<semaphore_mem>>)
      %add3A_250 = arith.constant 2 : i32
      %add3A_251 = arith.addi %add3A_209, %add3A_250 : i32
      %lt3A_252 = arith.constant 200 : i32
      %lt3A_253 = arith.cmpi slt, %add3A_251, %lt3A_252 : i32
      %convert_element_type3A_254 = arith.extui %lt3A_253 : i1 to i32
      %cond3A_255 = arith.constant 0 : i32
      %cond3A_256 = arith.cmpi ne, %convert_element_type3A_254, %cond3A_255 : i32
      scf.if %cond3A_256 {
        %ge3A = arith.constant 4 : i32
        %ge3A_308 = arith.cmpi sge, %add3A_251, %ge3A : i32
        %convert_element_type3A_309 = arith.extui %ge3A_308 : i1 to i32
        %cond3A_310 = arith.constant 0 : i32
        %cond3A_311 = arith.cmpi ne, %convert_element_type3A_309, %cond3A_310 : i32
        scf.if %cond3A_311 {
          %dma_wait3A_326 = arith.constant 0 : i32
          %dma_wait3A_327 = arith.constant 0 : i32
          %dma_wait3A_328 = arith.constant 0 : i32
          %dma_wait3A_329 = arith.constant 0 : i32
          %dma_wait3A_330 = tpu.memref_slice %arg6[%dma_wait3A_326, %dma_wait3A_328, %dma_wait3A_329] : memref<4x128x128xf32, #tpu.memory_space<vmem>> -> memref<1x128x128xf32, #tpu.memory_space<vmem>>
          %dma_wait3A_331 = tpu.memref_squeeze %dma_wait3A_330 : memref<1x128x128xf32, #tpu.memory_space<vmem>> -> memref<128x128xf32, #tpu.memory_space<vmem>>
          %dma_wait3A_332 = arith.constant 0 : i32
          %dma_wait3A_333 = arith.constant 0 : i32
          %dma_wait3A_334 = tpu.memref_slice %arg4[%dma_wait3A_332, %dma_wait3A_333] : memref<819200x128xf32, #tpu.memory_space<hbm>> -> memref<128x128xf32, #tpu.memory_space<hbm>>
          %dma_wait3A_335 = tpu.memref_slice %arg8[%dma_wait3A_327] : memref<4x!tpu.dma_semaphore, #tpu.memory_space<semaphore_mem>> -> memref<1x!tpu.dma_semaphore, #tpu.memory_space<semaphore_mem>>
          %dma_wait3A_336 = tpu.memref_squeeze %dma_wait3A_335 : memref<1x!tpu.dma_semaphore, #tpu.memory_space<semaphore_mem>> -> memref<!tpu.dma_semaphore, #tpu.memory_space<semaphore_mem>>
          %dma_wait3A_337 = arith.constant 0 : i32
          %dma_wait3A_338 = arith.constant 0 : i32
          %dma_wait3A_339 = tpu.memref_slice %arg4[%dma_wait3A_337, %dma_wait3A_338] : memref<819200x128xf32, #tpu.memory_space<hbm>> -> memref<128x128xf32, #tpu.memory_space<hbm>>
          %dma_wait3A_340 = arith.constant 0 : i32
          %dma_wait3A_341 = arith.constant 0 : i32
          %dma_wait3A_342 = tpu.memref_slice %arg6[%dma_wait3A_326, %dma_wait3A_340, %dma_wait3A_341] : memref<4x128x128xf32, #tpu.memory_space<vmem>> -> memref<1x128x128xf32, #tpu.memory_space<vmem>>
          %dma_wait3A_343 = tpu.memref_squeeze %dma_wait3A_342 : memref<1x128x128xf32, #tpu.memory_space<vmem>> -> memref<128x128xf32, #tpu.memory_space<vmem>>
          tpu.wait_dma2 semaphore(%dma_wait3A_336 : memref<!tpu.dma_semaphore, #tpu.memory_space<semaphore_mem>>) src(%dma_wait3A_343 : memref<128x128xf32, #tpu.memory_space<vmem>>) dst(%dma_wait3A_339 : memref<128x128xf32, #tpu.memory_space<hbm>>)
        } else {
        }
        %mul3A_312 = arith.constant 128 : i32
        %mul3A_313 = arith.muli %add3A_251, %mul3A_312 : i32
        %dma_start3A_314 = arith.constant 0 : i32
        %dma_start3A_315 = arith.constant 0 : i32
        %dma_start3A_316 = arith.constant 0 : i32
        %dma_start3A_317 = arith.constant 0 : i32
        %dma_start3A_318 = tpu.memref_slice %arg6[%dma_start3A_314, %dma_start3A_316, %dma_start3A_317] : memref<4x128x128xf32, #tpu.memory_space<vmem>> -> memref<1x128x128xf32, #tpu.memory_space<vmem>>
        %dma_start3A_319 = tpu.memref_squeeze %dma_start3A_318 : memref<1x128x128xf32, #tpu.memory_space<vmem>> -> memref<128x128xf32, #tpu.memory_space<vmem>>
        %dma_start3A_320 = tpu.memref_slice %arg5[%mul3A_313] : memref<25600xi32, #tpu.memory_space<vmem>> -> memref<128xi32, #tpu.memory_space<vmem>>
        %dma_start3A_321 = arith.constant 0 : i32
        %dma_start3A_322 = arith.constant 0 : i32
        %dma_start3A_323 = tpu.memref_slice %arg3[%dma_start3A_321, %dma_start3A_322] : memref<1000000x128xf32, #tpu.memory_space<hbm>> -> memref<1000000x128xf32, #tpu.memory_space<hbm>>
        %dma_start3A_324 = tpu.memref_slice %arg7[%dma_start3A_315] : memref<4x!tpu.dma_semaphore, #tpu.memory_space<semaphore_mem>> -> memref<1x!tpu.dma_semaphore, #tpu.memory_space<semaphore_mem>>
        %dma_start3A_325 = tpu.memref_squeeze %dma_start3A_324 : memref<1x!tpu.dma_semaphore, #tpu.memory_space<semaphore_mem>> -> memref<!tpu.dma_semaphore, #tpu.memory_space<semaphore_mem>>
        tpu.enqueue_indirect_dma source(%dma_start3A_323 : memref<1000000x128xf32, #tpu.memory_space<hbm>>) target(%dma_start3A_319 : memref<128x128xf32, #tpu.memory_space<vmem>>) offsets(%dma_start3A_320 : memref<128xi32, #tpu.memory_space<vmem>>) semaphore(%dma_start3A_325 : memref<!tpu.dma_semaphore, #tpu.memory_space<semaphore_mem>>)
      } else {
      }
      %mul3A_257 = arith.constant 4 : i32
      %mul3A_258 = arith.muli %scan3A_106, %mul3A_257 : i32
      %add3A_259 = arith.constant 3 : i32
      %add3A_260 = arith.addi %mul3A_258, %add3A_259 : i32
      %dma_wait3A_261 = arith.constant 3 : i32
      %dma_wait3A_262 = arith.constant 3 : i32
      %dma_wait3A_263 = arith.constant 0 : i32
      %dma_wait3A_264 = arith.constant 0 : i32
      %dma_wait3A_265 = tpu.memref_slice %arg6[%dma_wait3A_261, %dma_wait3A_263, %dma_wait3A_264] : memref<4x128x128xf32, #tpu.memory_space<vmem>> -> memref<1x128x128xf32, #tpu.memory_space<vmem>>
      %dma_wait3A_266 = tpu.memref_squeeze %dma_wait3A_265 : memref<1x128x128xf32, #tpu.memory_space<vmem>> -> memref<128x128xf32, #tpu.memory_space<vmem>>
      %dma_wait3A_267 = arith.constant 0 : i32
      %dma_wait3A_268 = tpu.memref_slice %arg5[%dma_wait3A_267] : memref<25600xi32, #tpu.memory_space<vmem>> -> memref<128xi32, #tpu.memory_space<vmem>>
      %dma_wait3A_269 = arith.constant 0 : i32
      %dma_wait3A_270 = arith.constant 0 : i32
      %dma_wait3A_271 = tpu.memref_slice %arg3[%dma_wait3A_269, %dma_wait3A_270] : memref<1000000x128xf32, #tpu.memory_space<hbm>> -> memref<1000000x128xf32, #tpu.memory_space<hbm>>
      %dma_wait3A_272 = tpu.memref_slice %arg7[%dma_wait3A_262] : memref<4x!tpu.dma_semaphore, #tpu.memory_space<semaphore_mem>> -> memref<1x!tpu.dma_semaphore, #tpu.memory_space<semaphore_mem>>
      %dma_wait3A_273 = tpu.memref_squeeze %dma_wait3A_272 : memref<1x!tpu.dma_semaphore, #tpu.memory_space<semaphore_mem>> -> memref<!tpu.dma_semaphore, #tpu.memory_space<semaphore_mem>>
      tpu.wait_indirect_dma semaphore(%dma_wait3A_273 : memref<!tpu.dma_semaphore, #tpu.memory_space<semaphore_mem>>) src(%dma_wait3A_271 : memref<1000000x128xf32, #tpu.memory_space<hbm>>) dst(%dma_wait3A_266 : memref<128x128xf32, #tpu.memory_space<vmem>>)
      %scan3A_274 = arith.constant 0 : i32
      %scan3A_275 = arith.constant 0 : i32
      %scan3A_276 = arith.constant 32 : i32
      %scan3A_277 = arith.addi %scan3A_275, %scan3A_276 : i32
      %scan3A_278 = arith.constant 1 : i32
      scf.for %scan3A_308 = %scan3A_275 to %scan3A_277 step %scan3A_278  : i32 {
        %mul3A_309 = arith.constant 4 : i32
        %mul3A_310 = arith.muli %scan3A_308, %mul3A_309 : i32
        %add3A_311 = arith.constant 0 : i32
        %add3A_312 = arith.addi %mul3A_310, %add3A_311 : i32
        %get3A = arith.constant 3 : i32
        %get3A_313 = arith.index_cast %get3A : i32 to index
        %get3A_314 = arith.index_cast %add3A_312 : i32 to index
        %get3A_315 = arith.constant 0 : index
        %get3A_316 = tpu.vector_load %arg6[%get3A_313, %get3A_314, %get3A_315] {strides = array<i32>} : memref<4x128x128xf32, #tpu.memory_space<vmem>>, vector<16xf32>,
        %mul3A_317 = arith.constant 8.000000e+00 : f32
        %mul3A_318 = vector.broadcast %mul3A_317 : f32 to vector<16xf32>
        %mul3A_319 = arith.mulf %get3A_316, %mul3A_318 : vector<16xf32>
        %swap3A = arith.constant 3 : i32
        %swap3A_320 = arith.index_cast %swap3A : i32 to index
        %swap3A_321 = arith.index_cast %add3A_312 : i32 to index
        %swap3A_322 = arith.constant 0 : index
        %swap3A_323 = tpu.vector_load %arg6[%swap3A_320, %swap3A_321, %swap3A_322] {strides = array<i32>} : memref<4x128x128xf32, #tpu.memory_space<vmem>>, vector<16xf32>,
        tpu.vector_store %arg6[%swap3A_320, %swap3A_321, %swap3A_322], %mul3A_319 {strides = array<i32>} : memref<4x128x128xf32, #tpu.memory_space<vmem>>, vector<16xf32>,
        %get3A_324 = arith.constant 3 : i32
        %get3A_325 = arith.index_cast %get3A_324 : i32 to index
        %get3A_326 = arith.index_cast %add3A_312 : i32 to index
        %get3A_327 = arith.constant 16 : index
        %get3A_328 = tpu.vector_load %arg6[%get3A_325, %get3A_326, %get3A_327] {strides = array<i32>} : memref<4x128x128xf32, #tpu.memory_space<vmem>>, vector<16xf32>,
        %mul3A_329 = arith.constant 8.000000e+00 : f32
        %mul3A_330 = vector.broadcast %mul3A_329 : f32 to vector<16xf32>
        %mul3A_331 = arith.mulf %get3A_328, %mul3A_330 : vector<16xf32>
        %swap3A_332 = arith.constant 3 : i32
        %swap3A_333 = arith.index_cast %swap3A_332 : i32 to index
        %swap3A_334 = arith.index_cast %add3A_312 : i32 to index
        %swap3A_335 = arith.constant 16 : index
        %swap3A_336 = tpu.vector_load %arg6[%swap3A_333, %swap3A_334, %swap3A_335] {strides = array<i32>} : memref<4x128x128xf32, #tpu.memory_space<vmem>>, vector<16xf32>,
        tpu.vector_store %arg6[%swap3A_333, %swap3A_334, %swap3A_335], %mul3A_331 {strides = array<i32>} : memref<4x128x128xf32, #tpu.memory_space<vmem>>, vector<16xf32>,
        %get3A_337 = arith.constant 3 : i32
        %get3A_338 = arith.index_cast %get3A_337 : i32 to index
        %get3A_339 = arith.index_cast %add3A_312 : i32 to index
        %get3A_340 = arith.constant 32 : index
        %get3A_341 = tpu.vector_load %arg6[%get3A_338, %get3A_339, %get3A_340] {strides = array<i32>} : memref<4x128x128xf32, #tpu.memory_space<vmem>>, vector<16xf32>,
        %mul3A_342 = arith.constant 8.000000e+00 : f32
        %mul3A_343 = vector.broadcast %mul3A_342 : f32 to vector<16xf32>
        %mul3A_344 = arith.mulf %get3A_341, %mul3A_343 : vector<16xf32>
        %swap3A_345 = arith.constant 3 : i32
        %swap3A_346 = arith.index_cast %swap3A_345 : i32 to index
        %swap3A_347 = arith.index_cast %add3A_312 : i32 to index
        %swap3A_348 = arith.constant 32 : index
        %swap3A_349 = tpu.vector_load %arg6[%swap3A_346, %swap3A_347, %swap3A_348] {strides = array<i32>} : memref<4x128x128xf32, #tpu.memory_space<vmem>>, vector<16xf32>,
        tpu.vector_store %arg6[%swap3A_346, %swap3A_347, %swap3A_348], %mul3A_344 {strides = array<i32>} : memref<4x128x128xf32, #tpu.memory_space<vmem>>, vector<16xf32>,
        %get3A_350 = arith.constant 3 : i32
        %get3A_351 = arith.index_cast %get3A_350 : i32 to index
        %get3A_352 = arith.index_cast %add3A_312 : i32 to index
        %get3A_353 = arith.constant 48 : index
        %get3A_354 = tpu.vector_load %arg6[%get3A_351, %get3A_352, %get3A_353] {strides = array<i32>} : memref<4x128x128xf32, #tpu.memory_space<vmem>>, vector<16xf32>,
        %mul3A_355 = arith.constant 8.000000e+00 : f32
        %mul3A_356 = vector.broadcast %mul3A_355 : f32 to vector<16xf32>
        %mul3A_357 = arith.mulf %get3A_354, %mul3A_356 : vector<16xf32>
        %swap3A_358 = arith.constant 3 : i32
        %swap3A_359 = arith.index_cast %swap3A_358 : i32 to index
        %swap3A_360 = arith.index_cast %add3A_312 : i32 to index
        %swap3A_361 = arith.constant 48 : index
        %swap3A_362 = tpu.vector_load %arg6[%swap3A_359, %swap3A_360, %swap3A_361] {strides = array<i32>} : memref<4x128x128xf32, #tpu.memory_space<vmem>>, vector<16xf32>,
        tpu.vector_store %arg6[%swap3A_359, %swap3A_360, %swap3A_361], %mul3A_357 {strides = array<i32>} : memref<4x128x128xf32, #tpu.memory_space<vmem>>, vector<16xf32>,
        %mul3A_363 = arith.constant 4 : i32
        %mul3A_364 = arith.muli %scan3A_308, %mul3A_363 : i32
        %add3A_365 = arith.constant 1 : i32
        %add3A_366 = arith.addi %mul3A_364, %add3A_365 : i32
        %get3A_367 = arith.constant 3 : i32
        %get3A_368 = arith.index_cast %get3A_367 : i32 to index
        %get3A_369 = arith.index_cast %add3A_366 : i32 to index
        %get3A_370 = arith.constant 0 : index
        %get3A_371 = tpu.vector_load %arg6[%get3A_368, %get3A_369, %get3A_370] {strides = array<i32>} : memref<4x128x128xf32, #tpu.memory_space<vmem>>, vector<16xf32>,
        %mul3A_372 = arith.constant 8.000000e+00 : f32
        %mul3A_373 = vector.broadcast %mul3A_372 : f32 to vector<16xf32>
        %mul3A_374 = arith.mulf %get3A_371, %mul3A_373 : vector<16xf32>
        %swap3A_375 = arith.constant 3 : i32
        %swap3A_376 = arith.index_cast %swap3A_375 : i32 to index
        %swap3A_377 = arith.index_cast %add3A_366 : i32 to index
        %swap3A_378 = arith.constant 0 : index
        %swap3A_379 = tpu.vector_load %arg6[%swap3A_376, %swap3A_377, %swap3A_378] {strides = array<i32>} : memref<4x128x128xf32, #tpu.memory_space<vmem>>, vector<16xf32>,
        tpu.vector_store %arg6[%swap3A_376, %swap3A_377, %swap3A_378], %mul3A_374 {strides = array<i32>} : memref<4x128x128xf32, #tpu.memory_space<vmem>>, vector<16xf32>,
        %get3A_380 = arith.constant 3 : i32
        %get3A_381 = arith.index_cast %get3A_380 : i32 to index
        %get3A_382 = arith.index_cast %add3A_366 : i32 to index
        %get3A_383 = arith.constant 16 : index
        %get3A_384 = tpu.vector_load %arg6[%get3A_381, %get3A_382, %get3A_383] {strides = array<i32>} : memref<4x128x128xf32, #tpu.memory_space<vmem>>, vector<16xf32>,
        %mul3A_385 = arith.constant 8.000000e+00 : f32
        %mul3A_386 = vector.broadcast %mul3A_385 : f32 to vector<16xf32>
        %mul3A_387 = arith.mulf %get3A_384, %mul3A_386 : vector<16xf32>
        %swap3A_388 = arith.constant 3 : i32
        %swap3A_389 = arith.index_cast %swap3A_388 : i32 to index
        %swap3A_390 = arith.index_cast %add3A_366 : i32 to index
        %swap3A_391 = arith.constant 16 : index
        %swap3A_392 = tpu.vector_load %arg6[%swap3A_389, %swap3A_390, %swap3A_391] {strides = array<i32>} : memref<4x128x128xf32, #tpu.memory_space<vmem>>, vector<16xf32>,
        tpu.vector_store %arg6[%swap3A_389, %swap3A_390, %swap3A_391], %mul3A_387 {strides = array<i32>} : memref<4x128x128xf32, #tpu.memory_space<vmem>>, vector<16xf32>,
        %get3A_393 = arith.constant 3 : i32
        %get3A_394 = arith.index_cast %get3A_393 : i32 to index
        %get3A_395 = arith.index_cast %add3A_366 : i32 to index
        %get3A_396 = arith.constant 32 : index
        %get3A_397 = tpu.vector_load %arg6[%get3A_394, %get3A_395, %get3A_396] {strides = array<i32>} : memref<4x128x128xf32, #tpu.memory_space<vmem>>, vector<16xf32>,
        %mul3A_398 = arith.constant 8.000000e+00 : f32
        %mul3A_399 = vector.broadcast %mul3A_398 : f32 to vector<16xf32>
        %mul3A_400 = arith.mulf %get3A_397, %mul3A_399 : vector<16xf32>
        %swap3A_401 = arith.constant 3 : i32
        %swap3A_402 = arith.index_cast %swap3A_401 : i32 to index
        %swap3A_403 = arith.index_cast %add3A_366 : i32 to index
        %swap3A_404 = arith.constant 32 : index
        %swap3A_405 = tpu.vector_load %arg6[%swap3A_402, %swap3A_403, %swap3A_404] {strides = array<i32>} : memref<4x128x128xf32, #tpu.memory_space<vmem>>, vector<16xf32>,
        tpu.vector_store %arg6[%swap3A_402, %swap3A_403, %swap3A_404], %mul3A_400 {strides = array<i32>} : memref<4x128x128xf32, #tpu.memory_space<vmem>>, vector<16xf32>,
        %get3A_406 = arith.constant 3 : i32
        %get3A_407 = arith.index_cast %get3A_406 : i32 to index
        %get3A_408 = arith.index_cast %add3A_366 : i32 to index
        %get3A_409 = arith.constant 48 : index
        %get3A_410 = tpu.vector_load %arg6[%get3A_407, %get3A_408, %get3A_409] {strides = array<i32>} : memref<4x128x128xf32, #tpu.memory_space<vmem>>, vector<16xf32>,
        %mul3A_411 = arith.constant 8.000000e+00 : f32
        %mul3A_412 = vector.broadcast %mul3A_411 : f32 to vector<16xf32>
        %mul3A_413 = arith.mulf %get3A_410, %mul3A_412 : vector<16xf32>
        %swap3A_414 = arith.constant 3 : i32
        %swap3A_415 = arith.index_cast %swap3A_414 : i32 to index
        %swap3A_416 = arith.index_cast %add3A_366 : i32 to index
        %swap3A_417 = arith.constant 48 : index
        %swap3A_418 = tpu.vector_load %arg6[%swap3A_415, %swap3A_416, %swap3A_417] {strides = array<i32>} : memref<4x128x128xf32, #tpu.memory_space<vmem>>, vector<16xf32>,
        tpu.vector_store %arg6[%swap3A_415, %swap3A_416, %swap3A_417], %mul3A_413 {strides = array<i32>} : memref<4x128x128xf32, #tpu.memory_space<vmem>>, vector<16xf32>,
        %mul3A_419 = arith.constant 4 : i32
        %mul3A_420 = arith.muli %scan3A_308, %mul3A_419 : i32
        %add3A_421 = arith.constant 2 : i32
        %add3A_422 = arith.addi %mul3A_420, %add3A_421 : i32
        %get3A_423 = arith.constant 3 : i32
        %get3A_424 = arith.index_cast %get3A_423 : i32 to index
        %get3A_425 = arith.index_cast %add3A_422 : i32 to index
        %get3A_426 = arith.constant 0 : index
        %get3A_427 = tpu.vector_load %arg6[%get3A_424, %get3A_425, %get3A_426] {strides = array<i32>} : memref<4x128x128xf32, #tpu.memory_space<vmem>>, vector<16xf32>,
        %mul3A_428 = arith.constant 8.000000e+00 : f32
        %mul3A_429 = vector.broadcast %mul3A_428 : f32 to vector<16xf32>
        %mul3A_430 = arith.mulf %get3A_427, %mul3A_429 : vector<16xf32>
        %swap3A_431 = arith.constant 3 : i32
        %swap3A_432 = arith.index_cast %swap3A_431 : i32 to index
        %swap3A_433 = arith.index_cast %add3A_422 : i32 to index
        %swap3A_434 = arith.constant 0 : index
        %swap3A_435 = tpu.vector_load %arg6[%swap3A_432, %swap3A_433, %swap3A_434] {strides = array<i32>} : memref<4x128x128xf32, #tpu.memory_space<vmem>>, vector<16xf32>,
        tpu.vector_store %arg6[%swap3A_432, %swap3A_433, %swap3A_434], %mul3A_430 {strides = array<i32>} : memref<4x128x128xf32, #tpu.memory_space<vmem>>, vector<16xf32>,
        %get3A_436 = arith.constant 3 : i32
        %get3A_437 = arith.index_cast %get3A_436 : i32 to index
        %get3A_438 = arith.index_cast %add3A_422 : i32 to index
        %get3A_439 = arith.constant 16 : index
        %get3A_440 = tpu.vector_load %arg6[%get3A_437, %get3A_438, %get3A_439] {strides = array<i32>} : memref<4x128x128xf32, #tpu.memory_space<vmem>>, vector<16xf32>,
        %mul3A_441 = arith.constant 8.000000e+00 : f32
        %mul3A_442 = vector.broadcast %mul3A_441 : f32 to vector<16xf32>
        %mul3A_443 = arith.mulf %get3A_440, %mul3A_442 : vector<16xf32>
        %swap3A_444 = arith.constant 3 : i32
        %swap3A_445 = arith.index_cast %swap3A_444 : i32 to index
        %swap3A_446 = arith.index_cast %add3A_422 : i32 to index
        %swap3A_447 = arith.constant 16 : index
        %swap3A_448 = tpu.vector_load %arg6[%swap3A_445, %swap3A_446, %swap3A_447] {strides = array<i32>} : memref<4x128x128xf32, #tpu.memory_space<vmem>>, vector<16xf32>,
        tpu.vector_store %arg6[%swap3A_445, %swap3A_446, %swap3A_447], %mul3A_443 {strides = array<i32>} : memref<4x128x128xf32, #tpu.memory_space<vmem>>, vector<16xf32>,
        %get3A_449 = arith.constant 3 : i32
        %get3A_450 = arith.index_cast %get3A_449 : i32 to index
        %get3A_451 = arith.index_cast %add3A_422 : i32 to index
        %get3A_452 = arith.constant 32 : index
        %get3A_453 = tpu.vector_load %arg6[%get3A_450, %get3A_451, %get3A_452] {strides = array<i32>} : memref<4x128x128xf32, #tpu.memory_space<vmem>>, vector<16xf32>,
        %mul3A_454 = arith.constant 8.000000e+00 : f32
        %mul3A_455 = vector.broadcast %mul3A_454 : f32 to vector<16xf32>
        %mul3A_456 = arith.mulf %get3A_453, %mul3A_455 : vector<16xf32>
        %swap3A_457 = arith.constant 3 : i32
        %swap3A_458 = arith.index_cast %swap3A_457 : i32 to index
        %swap3A_459 = arith.index_cast %add3A_422 : i32 to index
        %swap3A_460 = arith.constant 32 : index
        %swap3A_461 = tpu.vector_load %arg6[%swap3A_458, %swap3A_459, %swap3A_460] {strides = array<i32>} : memref<4x128x128xf32, #tpu.memory_space<vmem>>, vector<16xf32>,
        tpu.vector_store %arg6[%swap3A_458, %swap3A_459, %swap3A_460], %mul3A_456 {strides = array<i32>} : memref<4x128x128xf32, #tpu.memory_space<vmem>>, vector<16xf32>,
        %get3A_462 = arith.constant 3 : i32
        %get3A_463 = arith.index_cast %get3A_462 : i32 to index
        %get3A_464 = arith.index_cast %add3A_422 : i32 to index
        %get3A_465 = arith.constant 48 : index
        %get3A_466 = tpu.vector_load %arg6[%get3A_463, %get3A_464, %get3A_465] {strides = array<i32>} : memref<4x128x128xf32, #tpu.memory_space<vmem>>, vector<16xf32>,
        %mul3A_467 = arith.constant 8.000000e+00 : f32
        %mul3A_468 = vector.broadcast %mul3A_467 : f32 to vector<16xf32>
        %mul3A_469 = arith.mulf %get3A_466, %mul3A_468 : vector<16xf32>
        %swap3A_470 = arith.constant 3 : i32
        %swap3A_471 = arith.index_cast %swap3A_470 : i32 to index
        %swap3A_472 = arith.index_cast %add3A_422 : i32 to index
        %swap3A_473 = arith.constant 48 : index
        %swap3A_474 = tpu.vector_load %arg6[%swap3A_471, %swap3A_472, %swap3A_473] {strides = array<i32>} : memref<4x128x128xf32, #tpu.memory_space<vmem>>, vector<16xf32>,
        tpu.vector_store %arg6[%swap3A_471, %swap3A_472, %swap3A_473], %mul3A_469 {strides = array<i32>} : memref<4x128x128xf32, #tpu.memory_space<vmem>>, vector<16xf32>,
        %mul3A_475 = arith.constant 4 : i32
        %mul3A_476 = arith.muli %scan3A_308, %mul3A_475 : i32
        %add3A_477 = arith.constant 3 : i32
        %add3A_478 = arith.addi %mul3A_476, %add3A_477 : i32
        %get3A_479 = arith.constant 3 : i32
        %get3A_480 = arith.index_cast %get3A_479 : i32 to index
        %get3A_481 = arith.index_cast %add3A_478 : i32 to index
        %get3A_482 = arith.constant 0 : index
        %get3A_483 = tpu.vector_load %arg6[%get3A_480, %get3A_481, %get3A_482] {strides = array<i32>} : memref<4x128x128xf32, #tpu.memory_space<vmem>>, vector<16xf32>,
        %mul3A_484 = arith.constant 8.000000e+00 : f32
        %mul3A_485 = vector.broadcast %mul3A_484 : f32 to vector<16xf32>
        %mul3A_486 = arith.mulf %get3A_483, %mul3A_485 : vector<16xf32>
        %swap3A_487 = arith.constant 3 : i32
        %swap3A_488 = arith.index_cast %swap3A_487 : i32 to index
        %swap3A_489 = arith.index_cast %add3A_478 : i32 to index
        %swap3A_490 = arith.constant 0 : index
        %swap3A_491 = tpu.vector_load %arg6[%swap3A_488, %swap3A_489, %swap3A_490] {strides = array<i32>} : memref<4x128x128xf32, #tpu.memory_space<vmem>>, vector<16xf32>,
        tpu.vector_store %arg6[%swap3A_488, %swap3A_489, %swap3A_490], %mul3A_486 {strides = array<i32>} : memref<4x128x128xf32, #tpu.memory_space<vmem>>, vector<16xf32>,
        %get3A_492 = arith.constant 3 : i32
        %get3A_493 = arith.index_cast %get3A_492 : i32 to index
        %get3A_494 = arith.index_cast %add3A_478 : i32 to index
        %get3A_495 = arith.constant 16 : index
        %get3A_496 = tpu.vector_load %arg6[%get3A_493, %get3A_494, %get3A_495] {strides = array<i32>} : memref<4x128x128xf32, #tpu.memory_space<vmem>>, vector<16xf32>,
        %mul3A_497 = arith.constant 8.000000e+00 : f32
        %mul3A_498 = vector.broadcast %mul3A_497 : f32 to vector<16xf32>
        %mul3A_499 = arith.mulf %get3A_496, %mul3A_498 : vector<16xf32>
        %swap3A_500 = arith.constant 3 : i32
        %swap3A_501 = arith.index_cast %swap3A_500 : i32 to index
        %swap3A_502 = arith.index_cast %add3A_478 : i32 to index
        %swap3A_503 = arith.constant 16 : index
        %swap3A_504 = tpu.vector_load %arg6[%swap3A_501, %swap3A_502, %swap3A_503] {strides = array<i32>} : memref<4x128x128xf32, #tpu.memory_space<vmem>>, vector<16xf32>,
        tpu.vector_store %arg6[%swap3A_501, %swap3A_502, %swap3A_503], %mul3A_499 {strides = array<i32>} : memref<4x128x128xf32, #tpu.memory_space<vmem>>, vector<16xf32>,
        %get3A_505 = arith.constant 3 : i32
        %get3A_506 = arith.index_cast %get3A_505 : i32 to index
        %get3A_507 = arith.index_cast %add3A_478 : i32 to index
        %get3A_508 = arith.constant 32 : index
        %get3A_509 = tpu.vector_load %arg6[%get3A_506, %get3A_507, %get3A_508] {strides = array<i32>} : memref<4x128x128xf32, #tpu.memory_space<vmem>>, vector<16xf32>,
        %mul3A_510 = arith.constant 8.000000e+00 : f32
        %mul3A_511 = vector.broadcast %mul3A_510 : f32 to vector<16xf32>
        %mul3A_512 = arith.mulf %get3A_509, %mul3A_511 : vector<16xf32>
        %swap3A_513 = arith.constant 3 : i32
        %swap3A_514 = arith.index_cast %swap3A_513 : i32 to index
        %swap3A_515 = arith.index_cast %add3A_478 : i32 to index
        %swap3A_516 = arith.constant 32 : index
        %swap3A_517 = tpu.vector_load %arg6[%swap3A_514, %swap3A_515, %swap3A_516] {strides = array<i32>} : memref<4x128x128xf32, #tpu.memory_space<vmem>>, vector<16xf32>,
        tpu.vector_store %arg6[%swap3A_514, %swap3A_515, %swap3A_516], %mul3A_512 {strides = array<i32>} : memref<4x128x128xf32, #tpu.memory_space<vmem>>, vector<16xf32>,
        %get3A_518 = arith.constant 3 : i32
        %get3A_519 = arith.index_cast %get3A_518 : i32 to index
        %get3A_520 = arith.index_cast %add3A_478 : i32 to index
        %get3A_521 = arith.constant 48 : index
        %get3A_522 = tpu.vector_load %arg6[%get3A_519, %get3A_520, %get3A_521] {strides = array<i32>} : memref<4x128x128xf32, #tpu.memory_space<vmem>>, vector<16xf32>,
        %mul3A_523 = arith.constant 8.000000e+00 : f32
        %mul3A_524 = vector.broadcast %mul3A_523 : f32 to vector<16xf32>
        %mul3A_525 = arith.mulf %get3A_522, %mul3A_524 : vector<16xf32>
        %swap3A_526 = arith.constant 3 : i32
        %swap3A_527 = arith.index_cast %swap3A_526 : i32 to index
        %swap3A_528 = arith.index_cast %add3A_478 : i32 to index
        %swap3A_529 = arith.constant 48 : index
        %swap3A_530 = tpu.vector_load %arg6[%swap3A_527, %swap3A_528, %swap3A_529] {strides = array<i32>} : memref<4x128x128xf32, #tpu.memory_space<vmem>>, vector<16xf32>,
        tpu.vector_store %arg6[%swap3A_527, %swap3A_528, %swap3A_529], %mul3A_525 {strides = array<i32>} : memref<4x128x128xf32, #tpu.memory_space<vmem>>, vector<16xf32>,
      }
      %scan3A_279 = arith.constant 32 : i32
      %mul3A_280 = arith.constant 200 : i32
      %mul3A_281 = arith.muli %mul3A_2, %mul3A_280 : i32
      %mul3A_282 = arith.constant 128 : i32
      %mul3A_283 = arith.muli %add3A_260, %mul3A_282 : i32
      %add3A_284 = arith.addi %mul3A_281, %mul3A_283 : i32
      %dma_start3A_285 = arith.constant 3 : i32
      %dma_start3A_286 = arith.constant 3 : i32
      %dma_start3A_287 = arith.constant 0 : i32
      %dma_start3A_288 = arith.constant 0 : i32
      %dma_start3A_289 = tpu.memref_slice %arg6[%dma_start3A_285, %dma_start3A_287, %dma_start3A_288] : memref<4x128x128xf32, #tpu.memory_space<vmem>> -> memref<1x128x128xf32, #tpu.memory_space<vmem>>
      %dma_start3A_290 = tpu.memref_squeeze %dma_start3A_289 : memref<1x128x128xf32, #tpu.memory_space<vmem>> -> memref<128x128xf32, #tpu.memory_space<vmem>>
      %dma_start3A_291 = arith.constant 0 : i32
      %dma_start3A_292 = tpu.memref_slice %arg4[%add3A_284, %dma_start3A_291] : memref<819200x128xf32, #tpu.memory_space<hbm>> -> memref<128x128xf32, #tpu.memory_space<hbm>>
      %dma_start3A_293 = tpu.memref_slice %arg8[%dma_start3A_286] : memref<4x!tpu.dma_semaphore, #tpu.memory_space<semaphore_mem>> -> memref<1x!tpu.dma_semaphore, #tpu.memory_space<semaphore_mem>>
      %dma_start3A_294 = tpu.memref_squeeze %dma_start3A_293 : memref<1x!tpu.dma_semaphore, #tpu.memory_space<semaphore_mem>> -> memref<!tpu.dma_semaphore, #tpu.memory_space<semaphore_mem>>
      %dma_start3A_295 = arith.constant 0 : i32
      %dma_start3A_296 = tpu.memref_slice %arg4[%add3A_284, %dma_start3A_295] : memref<819200x128xf32, #tpu.memory_space<hbm>> -> memref<128x128xf32, #tpu.memory_space<hbm>>
      %dma_start3A_297 = arith.constant 0 : i32
      %dma_start3A_298 = arith.constant 0 : i32
      %dma_start3A_299 = tpu.memref_slice %arg6[%dma_start3A_285, %dma_start3A_297, %dma_start3A_298] : memref<4x128x128xf32, #tpu.memory_space<vmem>> -> memref<1x128x128xf32, #tpu.memory_space<vmem>>
      %dma_start3A_300 = tpu.memref_squeeze %dma_start3A_299 : memref<1x128x128xf32, #tpu.memory_space<vmem>> -> memref<128x128xf32, #tpu.memory_space<vmem>>
      tpu.enqueue_dma source(%dma_start3A_300 : memref<128x128xf32, #tpu.memory_space<vmem>>) target(%dma_start3A_296 : memref<128x128xf32, #tpu.memory_space<hbm>>) target_semaphore(%dma_start3A_294 : memref<!tpu.dma_semaphore, #tpu.memory_space<semaphore_mem>>)
      %add3A_301 = arith.constant 2 : i32
      %add3A_302 = arith.addi %add3A_260, %add3A_301 : i32
      %lt3A_303 = arith.constant 200 : i32
      %lt3A_304 = arith.cmpi slt, %add3A_302, %lt3A_303 : i32
      %convert_element_type3A_305 = arith.extui %lt3A_304 : i1 to i32
      %cond3A_306 = arith.constant 0 : i32
      %cond3A_307 = arith.cmpi ne, %convert_element_type3A_305, %cond3A_306 : i32
      scf.if %cond3A_307 {
        %ge3A = arith.constant 4 : i32
        %ge3A_308 = arith.cmpi sge, %add3A_302, %ge3A : i32
        %convert_element_type3A_309 = arith.extui %ge3A_308 : i1 to i32
        %cond3A_310 = arith.constant 0 : i32
        %cond3A_311 = arith.cmpi ne, %convert_element_type3A_309, %cond3A_310 : i32
        scf.if %cond3A_311 {
          %dma_wait3A_326 = arith.constant 1 : i32
          %dma_wait3A_327 = arith.constant 1 : i32
          %dma_wait3A_328 = arith.constant 0 : i32
          %dma_wait3A_329 = arith.constant 0 : i32
          %dma_wait3A_330 = tpu.memref_slice %arg6[%dma_wait3A_326, %dma_wait3A_328, %dma_wait3A_329] : memref<4x128x128xf32, #tpu.memory_space<vmem>> -> memref<1x128x128xf32, #tpu.memory_space<vmem>>
          %dma_wait3A_331 = tpu.memref_squeeze %dma_wait3A_330 : memref<1x128x128xf32, #tpu.memory_space<vmem>> -> memref<128x128xf32, #tpu.memory_space<vmem>>
          %dma_wait3A_332 = arith.constant 0 : i32
          %dma_wait3A_333 = arith.constant 0 : i32
          %dma_wait3A_334 = tpu.memref_slice %arg4[%dma_wait3A_332, %dma_wait3A_333] : memref<819200x128xf32, #tpu.memory_space<hbm>> -> memref<128x128xf32, #tpu.memory_space<hbm>>
          %dma_wait3A_335 = tpu.memref_slice %arg8[%dma_wait3A_327] : memref<4x!tpu.dma_semaphore, #tpu.memory_space<semaphore_mem>> -> memref<1x!tpu.dma_semaphore, #tpu.memory_space<semaphore_mem>>
          %dma_wait3A_336 = tpu.memref_squeeze %dma_wait3A_335 : memref<1x!tpu.dma_semaphore, #tpu.memory_space<semaphore_mem>> -> memref<!tpu.dma_semaphore, #tpu.memory_space<semaphore_mem>>
          %dma_wait3A_337 = arith.constant 0 : i32
          %dma_wait3A_338 = arith.constant 0 : i32
          %dma_wait3A_339 = tpu.memref_slice %arg4[%dma_wait3A_337, %dma_wait3A_338] : memref<819200x128xf32, #tpu.memory_space<hbm>> -> memref<128x128xf32, #tpu.memory_space<hbm>>
          %dma_wait3A_340 = arith.constant 0 : i32
          %dma_wait3A_341 = arith.constant 0 : i32
          %dma_wait3A_342 = tpu.memref_slice %arg6[%dma_wait3A_326, %dma_wait3A_340, %dma_wait3A_341] : memref<4x128x128xf32, #tpu.memory_space<vmem>> -> memref<1x128x128xf32, #tpu.memory_space<vmem>>
          %dma_wait3A_343 = tpu.memref_squeeze %dma_wait3A_342 : memref<1x128x128xf32, #tpu.memory_space<vmem>> -> memref<128x128xf32, #tpu.memory_space<vmem>>
          tpu.wait_dma2 semaphore(%dma_wait3A_336 : memref<!tpu.dma_semaphore, #tpu.memory_space<semaphore_mem>>) src(%dma_wait3A_343 : memref<128x128xf32, #tpu.memory_space<vmem>>) dst(%dma_wait3A_339 : memref<128x128xf32, #tpu.memory_space<hbm>>)
        } else {
        }
        %mul3A_312 = arith.constant 128 : i32
        %mul3A_313 = arith.muli %add3A_302, %mul3A_312 : i32
        %dma_start3A_314 = arith.constant 1 : i32
        %dma_start3A_315 = arith.constant 1 : i32
        %dma_start3A_316 = arith.constant 0 : i32
        %dma_start3A_317 = arith.constant 0 : i32
        %dma_start3A_318 = tpu.memref_slice %arg6[%dma_start3A_314, %dma_start3A_316, %dma_start3A_317] : memref<4x128x128xf32, #tpu.memory_space<vmem>> -> memref<1x128x128xf32, #tpu.memory_space<vmem>>
        %dma_start3A_319 = tpu.memref_squeeze %dma_start3A_318 : memref<1x128x128xf32, #tpu.memory_space<vmem>> -> memref<128x128xf32, #tpu.memory_space<vmem>>
        %dma_start3A_320 = tpu.memref_slice %arg5[%mul3A_313] : memref<25600xi32, #tpu.memory_space<vmem>> -> memref<128xi32, #tpu.memory_space<vmem>>
        %dma_start3A_321 = arith.constant 0 : i32
        %dma_start3A_322 = arith.constant 0 : i32
        %dma_start3A_323 = tpu.memref_slice %arg3[%dma_start3A_321, %dma_start3A_322] : memref<1000000x128xf32, #tpu.memory_space<hbm>> -> memref<1000000x128xf32, #tpu.memory_space<hbm>>
        %dma_start3A_324 = tpu.memref_slice %arg7[%dma_start3A_315] : memref<4x!tpu.dma_semaphore, #tpu.memory_space<semaphore_mem>> -> memref<1x!tpu.dma_semaphore, #tpu.memory_space<semaphore_mem>>
        %dma_start3A_325 = tpu.memref_squeeze %dma_start3A_324 : memref<1x!tpu.dma_semaphore, #tpu.memory_space<semaphore_mem>> -> memref<!tpu.dma_semaphore, #tpu.memory_space<semaphore_mem>>
        tpu.enqueue_indirect_dma source(%dma_start3A_323 : memref<1000000x128xf32, #tpu.memory_space<hbm>>) target(%dma_start3A_319 : memref<128x128xf32, #tpu.memory_space<vmem>>) offsets(%dma_start3A_320 : memref<128xi32, #tpu.memory_space<vmem>>) semaphore(%dma_start3A_325 : memref<!tpu.dma_semaphore, #tpu.memory_space<semaphore_mem>>)
      } else {
      }
    }
    %scan3A_34 = arith.constant 50 : i32
    %dma_wait3A = arith.constant 0 : i32
    %dma_wait3A_35 = arith.constant 0 : i32
    %dma_wait3A_36 = arith.constant 0 : i32
    %dma_wait3A_37 = arith.constant 0 : i32
    %dma_wait3A_38 = tpu.memref_slice %arg6[%dma_wait3A, %dma_wait3A_36, %dma_wait3A_37] : memref<4x128x128xf32, #tpu.memory_space<vmem>> -> memref<1x128x128xf32, #tpu.memory_space<vmem>>
    %dma_wait3A_39 = tpu.memref_squeeze %dma_wait3A_38 : memref<1x128x128xf32, #tpu.memory_space<vmem>> -> memref<128x128xf32, #tpu.memory_space<vmem>>
    %dma_wait3A_40 = arith.constant 0 : i32
    %dma_wait3A_41 = arith.constant 0 : i32
    %dma_wait3A_42 = tpu.memref_slice %arg4[%dma_wait3A_40, %dma_wait3A_41] : memref<819200x128xf32, #tpu.memory_space<hbm>> -> memref<128x128xf32, #tpu.memory_space<hbm>>
    %dma_wait3A_43 = tpu.memref_slice %arg8[%dma_wait3A_35] : memref<4x!tpu.dma_semaphore, #tpu.memory_space<semaphore_mem>> -> memref<1x!tpu.dma_semaphore, #tpu.memory_space<semaphore_mem>>
    %dma_wait3A_44 = tpu.memref_squeeze %dma_wait3A_43 : memref<1x!tpu.dma_semaphore, #tpu.memory_space<semaphore_mem>> -> memref<!tpu.dma_semaphore, #tpu.memory_space<semaphore_mem>>
    %dma_wait3A_45 = arith.constant 0 : i32
    %dma_wait3A_46 = arith.constant 0 : i32
    %dma_wait3A_47 = tpu.memref_slice %arg4[%dma_wait3A_45, %dma_wait3A_46] : memref<819200x128xf32, #tpu.memory_space<hbm>> -> memref<128x128xf32, #tpu.memory_space<hbm>>
    %dma_wait3A_48 = arith.constant 0 : i32
    %dma_wait3A_49 = arith.constant 0 : i32
    %dma_wait3A_50 = tpu.memref_slice %arg6[%dma_wait3A, %dma_wait3A_48, %dma_wait3A_49] : memref<4x128x128xf32, #tpu.memory_space<vmem>> -> memref<1x128x128xf32, #tpu.memory_space<vmem>>
    %dma_wait3A_51 = tpu.memref_squeeze %dma_wait3A_50 : memref<1x128x128xf32, #tpu.memory_space<vmem>> -> memref<128x128xf32, #tpu.memory_space<vmem>>
    tpu.wait_dma2 semaphore(%dma_wait3A_44 : memref<!tpu.dma_semaphore, #tpu.memory_space<semaphore_mem>>) src(%dma_wait3A_51 : memref<128x128xf32, #tpu.memory_space<vmem>>) dst(%dma_wait3A_47 : memref<128x128xf32, #tpu.memory_space<hbm>>)
    %dma_wait3A_52 = arith.constant 1 : i32
    %dma_wait3A_53 = arith.constant 1 : i32
    %dma_wait3A_54 = arith.constant 0 : i32
    %dma_wait3A_55 = arith.constant 0 : i32
    %dma_wait3A_56 = tpu.memref_slice %arg6[%dma_wait3A_52, %dma_wait3A_54, %dma_wait3A_55] : memref<4x128x128xf32, #tpu.memory_space<vmem>> -> memref<1x128x128xf32, #tpu.memory_space<vmem>>
    %dma_wait3A_57 = tpu.memref_squeeze %dma_wait3A_56 : memref<1x128x128xf32, #tpu.memory_space<vmem>> -> memref<128x128xf32, #tpu.memory_space<vmem>>
    %dma_wait3A_58 = arith.constant 0 : i32
    %dma_wait3A_59 = arith.constant 0 : i32
    %dma_wait3A_60 = tpu.memref_slice %arg4[%dma_wait3A_58, %dma_wait3A_59] : memref<819200x128xf32, #tpu.memory_space<hbm>> -> memref<128x128xf32, #tpu.memory_space<hbm>>
    %dma_wait3A_61 = tpu.memref_slice %arg8[%dma_wait3A_53] : memref<4x!tpu.dma_semaphore, #tpu.memory_space<semaphore_mem>> -> memref<1x!tpu.dma_semaphore, #tpu.memory_space<semaphore_mem>>
    %dma_wait3A_62 = tpu.memref_squeeze %dma_wait3A_61 : memref<1x!tpu.dma_semaphore, #tpu.memory_space<semaphore_mem>> -> memref<!tpu.dma_semaphore, #tpu.memory_space<semaphore_mem>>
    %dma_wait3A_63 = arith.constant 0 : i32
    %dma_wait3A_64 = arith.constant 0 : i32
    %dma_wait3A_65 = tpu.memref_slice %arg4[%dma_wait3A_63, %dma_wait3A_64] : memref<819200x128xf32, #tpu.memory_space<hbm>> -> memref<128x128xf32, #tpu.memory_space<hbm>>
    %dma_wait3A_66 = arith.constant 0 : i32
    %dma_wait3A_67 = arith.constant 0 : i32
    %dma_wait3A_68 = tpu.memref_slice %arg6[%dma_wait3A_52, %dma_wait3A_66, %dma_wait3A_67] : memref<4x128x128xf32, #tpu.memory_space<vmem>> -> memref<1x128x128xf32, #tpu.memory_space<vmem>>
    %dma_wait3A_69 = tpu.memref_squeeze %dma_wait3A_68 : memref<1x128x128xf32, #tpu.memory_space<vmem>> -> memref<128x128xf32, #tpu.memory_space<vmem>>
    tpu.wait_dma2 semaphore(%dma_wait3A_62 : memref<!tpu.dma_semaphore, #tpu.memory_space<semaphore_mem>>) src(%dma_wait3A_69 : memref<128x128xf32, #tpu.memory_space<vmem>>) dst(%dma_wait3A_65 : memref<128x128xf32, #tpu.memory_space<hbm>>)
    %dma_wait3A_70 = arith.constant 2 : i32
    %dma_wait3A_71 = arith.constant 2 : i32
    %dma_wait3A_72 = arith.constant 0 : i32
    %dma_wait3A_73 = arith.constant 0 : i32
    %dma_wait3A_74 = tpu.memref_slice %arg6[%dma_wait3A_70, %dma_wait3A_72, %dma_wait3A_73] : memref<4x128x128xf32, #tpu.memory_space<vmem>> -> memref<1x128x128xf32, #tpu.memory_space<vmem>>
    %dma_wait3A_75 = tpu.memref_squeeze %dma_wait3A_74 : memref<1x128x128xf32, #tpu.memory_space<vmem>> -> memref<128x128xf32, #tpu.memory_space<vmem>>
    %dma_wait3A_76 = arith.constant 0 : i32
    %dma_wait3A_77 = arith.constant 0 : i32
    %dma_wait3A_78 = tpu.memref_slice %arg4[%dma_wait3A_76, %dma_wait3A_77] : memref<819200x128xf32, #tpu.memory_space<hbm>> -> memref<128x128xf32, #tpu.memory_space<hbm>>
    %dma_wait3A_79 = tpu.memref_slice %arg8[%dma_wait3A_71] : memref<4x!tpu.dma_semaphore, #tpu.memory_space<semaphore_mem>> -> memref<1x!tpu.dma_semaphore, #tpu.memory_space<semaphore_mem>>
    %dma_wait3A_80 = tpu.memref_squeeze %dma_wait3A_79 : memref<1x!tpu.dma_semaphore, #tpu.memory_space<semaphore_mem>> -> memref<!tpu.dma_semaphore, #tpu.memory_space<semaphore_mem>>
    %dma_wait3A_81 = arith.constant 0 : i32
    %dma_wait3A_82 = arith.constant 0 : i32
    %dma_wait3A_83 = tpu.memref_slice %arg4[%dma_wait3A_81, %dma_wait3A_82] : memref<819200x128xf32, #tpu.memory_space<hbm>> -> memref<128x128xf32, #tpu.memory_space<hbm>>
    %dma_wait3A_84 = arith.constant 0 : i32
    %dma_wait3A_85 = arith.constant 0 : i32
    %dma_wait3A_86 = tpu.memref_slice %arg6[%dma_wait3A_70, %dma_wait3A_84, %dma_wait3A_85] : memref<4x128x128xf32, #tpu.memory_space<vmem>> -> memref<1x128x128xf32, #tpu.memory_space<vmem>>
    %dma_wait3A_87 = tpu.memref_squeeze %dma_wait3A_86 : memref<1x128x128xf32, #tpu.memory_space<vmem>> -> memref<128x128xf32, #tpu.memory_space<vmem>>
    tpu.wait_dma2 semaphore(%dma_wait3A_80 : memref<!tpu.dma_semaphore, #tpu.memory_space<semaphore_mem>>) src(%dma_wait3A_87 : memref<128x128xf32, #tpu.memory_space<vmem>>) dst(%dma_wait3A_83 : memref<128x128xf32, #tpu.memory_space<hbm>>)
    %dma_wait3A_88 = arith.constant 3 : i32
    %dma_wait3A_89 = arith.constant 3 : i32
    %dma_wait3A_90 = arith.constant 0 : i32
    %dma_wait3A_91 = arith.constant 0 : i32
    %dma_wait3A_92 = tpu.memref_slice %arg6[%dma_wait3A_88, %dma_wait3A_90, %dma_wait3A_91] : memref<4x128x128xf32, #tpu.memory_space<vmem>> -> memref<1x128x128xf32, #tpu.memory_space<vmem>>
    %dma_wait3A_93 = tpu.memref_squeeze %dma_wait3A_92 : memref<1x128x128xf32, #tpu.memory_space<vmem>> -> memref<128x128xf32, #tpu.memory_space<vmem>>
    %dma_wait3A_94 = arith.constant 0 : i32
    %dma_wait3A_95 = arith.constant 0 : i32
    %dma_wait3A_96 = tpu.memref_slice %arg4[%dma_wait3A_94, %dma_wait3A_95] : memref<819200x128xf32, #tpu.memory_space<hbm>> -> memref<128x128xf32, #tpu.memory_space<hbm>>
    %dma_wait3A_97 = tpu.memref_slice %arg8[%dma_wait3A_89] : memref<4x!tpu.dma_semaphore, #tpu.memory_space<semaphore_mem>> -> memref<1x!tpu.dma_semaphore, #tpu.memory_space<semaphore_mem>>
    %dma_wait3A_98 = tpu.memref_squeeze %dma_wait3A_97 : memref<1x!tpu.dma_semaphore, #tpu.memory_space<semaphore_mem>> -> memref<!tpu.dma_semaphore, #tpu.memory_space<semaphore_mem>>
    %dma_wait3A_99 = arith.constant 0 : i32
    %dma_wait3A_100 = arith.constant 0 : i32
    %dma_wait3A_101 = tpu.memref_slice %arg4[%dma_wait3A_99, %dma_wait3A_100] : memref<819200x128xf32, #tpu.memory_space<hbm>> -> memref<128x128xf32, #tpu.memory_space<hbm>>
    %dma_wait3A_102 = arith.constant 0 : i32
    %dma_wait3A_103 = arith.constant 0 : i32
    %dma_wait3A_104 = tpu.memref_slice %arg6[%dma_wait3A_88, %dma_wait3A_102, %dma_wait3A_103] : memref<4x128x128xf32, #tpu.memory_space<vmem>> -> memref<1x128x128xf32, #tpu.memory_space<vmem>>
    %dma_wait3A_105 = tpu.memref_squeeze %dma_wait3A_104 : memref<1x128x128xf32, #tpu.memory_space<vmem>> -> memref<128x128xf32, #tpu.memory_space<vmem>>
    tpu.wait_dma2 semaphore(%dma_wait3A_98 : memref<!tpu.dma_semaphore, #tpu.memory_space<semaphore_mem>>) src(%dma_wait3A_105 : memref<128x128xf32, #tpu.memory_space<vmem>>) dst(%dma_wait3A_101 : memref<128x128xf32, #tpu.memory_space<hbm>>)
    return
  }
}

</mosaic_0001>

<sc_bundles>
// kernel: kernel.3.cloned.1.call-start
scs
__scs_entry_jumppad:
0x0: {  	(pc) =	sbr.rel $0x88, $3  }
0x1: {  	(tag) =	ssettag $0x0;
	lr =	simm.s32 $0x1  }
0x2: {  	[smem:$0x3F9F] =	sst lr;
	_ =	strace $0xD0000000  }
0x3: {  	_ = 	snop  }
0x4: {  	_ = 	snop  }
0x5: {  	_ = 	snop  }
0x6: {  	_ = 	snop  }
0x7: {  	_ = 	snop  }
__scs_overlays_trampoline_lowered:
0x8: {  	[smem:$0x3FAE] =	sst s0  }
0x9: {  	[smem:$0x3FAF] =	sst s1  }
0xa: {  	[smem:$0x3FB0] =	sst s2  }
0xb: {  	[smem:$0x3FB1] =	sst s3  }
0xc: {  	[smem:$0x3FB2] =	sst s4  }
0xd: {  	[smem:$0x3FB3] =	sst s5  }
0xe: {  	[smem:$0x3FB4] =	sst s6  }
0xf: {  	[smem:$0x3FB5] =	sst s7  }
0x10: {  	[smem:$0x3FB6] =	sst s8  }
0x11: {  	[smem:$0x3FB7] =	sst s9;
	s0 =	simm.s32 @!p0 $0x0  }
0x12: {  	s1 =	sld [smem:$0x3F9D];
	s0 =	simm.s32 @p0 $0x1  }
0x13: {  	[smem:$0x3FB8] =	sst s0;
	s0 =	simm.s32 @!p1 $0x0  }
0x14: {  	s2 =	sld [smem:$0x3F9C];
	s0 =	simm.s32 @p1 $0x1  }
0x15: {  	[smem:$0x3FB9] =	sst s0;
	s0 =	simm.s32 @!p2 $0x0  }
0x16: {  	s3 =	sld [smem:$0x3FDB];
	s0 =	simm.s32 @p2 $0x1  }
0x17: {  	s4 =	simm.s32 $0x1BF5;
	[smem:$0x3FBB] =	sst s0  }
0x18: {  	s0 =	sld [smem:$0x3F9E];
	_ =	swait.ge [sflag:s4], $0x0  }
0x19: {  	s7 =	sld [smem:$0x3F9F]  }
0x1a: {  	s8 =	sadd.s32 $0xFFFFE003, lr  }
0x1b: {  	s9 =	sadd.s32 $0xFFFFFEF7, lr;
	s5 =	simm.s32 $0xFFFFFFFF;
	p2 =	slt.u32 s8, $0xFFFFF086  }
0x1c: {  	p1 =	slt.u32 s9, $0xF7A;
	s5 =	simm.s32 @!p2 $0x0  }
0x1d: {  	s5 =	simm.s32 @p1 $0x1;
	p0 =	seq.s32 s7, s2  }
0x1e: {  	s7 =	smul.u32 @!p0 $0xF7A, s2;
	p2 =	seq.s32 @!p0 s5, $0x0  }
0x1f: {  	s9 =	smul.u32 $0xF7A, s1;
	s8 =	simm.s32 @!p0 $0x1BF5;
	p2 =	por !p2, p0  }
0x20: {  	[sflag:s8] =	ssyncset.s32 @!p0 $0xFFFFF086;
	s6 =	sadd.s32 @!p0 s3, s7;
	s7 =	simm.s32 @!p0 $0x108  }
0x21: {  	s3 =	sadd.s32 s3, s9;
	s6 =	sadd.s32 @!p0 $0x88, s6;
	s7 =	simm.s32 @p2 $0x1082  }
0x22: {  	[simem:s7], [sflag:s8] =	dma.local @!p0 [hbm:s6], $0xF7A  }
0x23: {  	s9 =	sor.u32 $0xD0000000, s2;
	s6 =	simm.s32 $0x108;
	_ =	swait.ge @!p0 [sflag:s8], $0x0  }
0x24: {  	s3 =	sadd.s32 $0x88, s3;
	s6 =	simm.s32 @!p1 $0x1082;
	[sflag:s4] =	ssyncset.s32 $0xFFFFF086  }
0x25: {  	[simem:s6], [sflag:s4] =	dma.local [hbm:s3], $0xF7A  }
0x26: {  	[smem:$0x3F9F] =	sst s1;
	(tag) =	ssettag s2;
	_ =	strace s9  }
0x27: {  	s1 =	sld [smem:$0x3FAF]  }
0x28: {  	s2 =	sld [smem:$0x3FB0]  }
0x29: {  	s4 =	sld [smem:$0x3FB2]  }
0x2a: {  	p0 =	seq.s32 s5, $0x0;
	s5 =	sld [smem:$0x3FB3]  }
0x2b: {  	s6 =	sld [smem:$0x3FB4]  }
0x2c: {  	s7 =	sld [smem:$0x3FB5]  }
0x2d: {  	s3 =	simm.s32 $0x108;
	s8 =	sld [smem:$0x3FB6]  }
0x2e: {  	s3 =	simm.s32 @!p0 $0x1082;
	s9 =	sld [smem:$0x3FB7]  }
0x2f: {  	lr =	sadd.s32 s0, s3;
	s0 =	sld [smem:$0x3FAE]  }
0x30: {  	s3 =	sld [smem:$0x3FB1]  }
0x31: {  	[smem:$0x3FBA] =	sst s10  }
0x32: {  	s10 =	sld [smem:$0x3FB8];
	_ =	sdelay $0x3  }
0x33: {  	p0 =	seq.s32 s10, $0x1;
	s10 =	sld [smem:$0x3FBA];
	_ =	sdelay $0x3  }
0x34: {  	[smem:$0x3FBA] =	sst s10  }
0x35: {  	s10 =	sld [smem:$0x3FB9];
	_ =	sdelay $0x3  }
0x36: {  	p1 =	seq.s32 s10, $0x1;
	s10 =	sld [smem:$0x3FBA];
	_ =	sdelay $0x3  }
0x37: {  	[smem:$0x3FBA] =	sst s10  }
0x38: {  	s10 =	sld [smem:$0x3FBB]  }
0x39: {  	_ = 	snop;
	(pc) =	sbr.ind lr, $3  }
0x3a: {  	_ = 	snop  }
0x3b: {  	_ = 	snop  }
0x3c: {  	p2 =	seq.s32 s10, $0x1;
	s10 =	sld [smem:$0x3FBA]  }
0x3d: {  	_ =	shalt  }
0x3e: {  	_ =	shalt  }
0x3f: {  	_ =	shalt  }
0x40: {  	_ =	shalt  }
0x41: {  	_ =	shalt  }
0x42: {  	_ =	shalt  }
0x43: {  	_ =	shalt  }
0x44: {  	_ =	shalt  }
0x45: {  	_ =	shalt  }
0x46: {  	_ =	shalt  }
0x47: {  	_ =	shalt  }
0x48: {  	_ =	shalt  }
0x49: {  	_ =	shalt  }
0x4a: {  	_ =	shalt  }
0x4b: {  	_ =	shalt  }
0x4c: {  	_ =	shalt  }
0x4d: {  	_ =	shalt  }
0x4e: {  	_ =	shalt  }
0x4f: {  	_ =	shalt  }
0x50: {  	_ =	shalt  }
0x51: {  	_ =	shalt  }
0x52: {  	_ =	shalt  }
0x53: {  	_ =	shalt  }
0x54: {  	_ =	shalt  }
0x55: {  	_ =	shalt  }
0x56: {  	_ =	shalt  }
0x57: {  	_ =	shalt  }
0x58: {  	_ =	shalt  }
0x59: {  	_ =	shalt  }
0x5a: {  	_ =	shalt  }
0x5b: {  	_ =	shalt  }
0x5c: {  	_ =	shalt  }
0x5d: {  	_ =	shalt  }
0x5e: {  	_ =	shalt  }
0x5f: {  	_ =	shalt  }
0x60: {  	_ =	shalt  }
0x61: {  	_ =	shalt  }
0x62: {  	_ =	shalt  }
0x63: {  	_ =	shalt  }
0x64: {  	_ =	shalt  }
0x65: {  	_ =	shalt  }
0x66: {  	_ =	shalt  }
0x67: {  	_ =	shalt  }
0x68: {  	_ =	shalt  }
0x69: {  	_ =	shalt  }
0x6a: {  	_ =	shalt  }
0x6b: {  	_ =	shalt  }
0x6c: {  	_ =	shalt  }
0x6d: {  	_ =	shalt  }
0x6e: {  	_ =	shalt  }
0x6f: {  	_ =	shalt  }
0x70: {  	_ =	shalt  }
0x71: {  	_ =	shalt  }
0x72: {  	_ =	shalt  }
0x73: {  	_ =	shalt  }
0x74: {  	_ =	shalt  }
0x75: {  	_ =	shalt  }
0x76: {  	_ =	shalt  }
0x77: {  	_ =	shalt  }
0x78: {  	_ =	shalt  }
0x79: {  	_ =	shalt  }
0x7a: {  	_ =	shalt  }
0x7b: {  	_ =	shalt  }
0x7c: {  	_ =	shalt  }
0x7d: {  	_ =	shalt  }
0x7e: {  	_ =	shalt  }
0x7f: {  	_ =	shalt  }
0x80: {  	_ =	shalt  }
0x81: {  	_ =	shalt  }
0x82: {  	_ =	shalt  }
0x83: {  	_ =	shalt  }
0x84: {  	_ =	shalt  }
0x85: {  	_ =	shalt  }
0x86: {  	_ =	shalt  }
0x87: {  	_ =	shalt  }
.Lfunc_end0:
.L_simem_size_0:
called_computation.1_lowered:
.L_overlay_start_0:
0x88: {  	s2 =	sld [smem:$0x3FD9]  }
0x89: {  	s3 =	sld [smem:$0x3FFE];
	_ =	sdelay $0x1  }
0x8a: {  	s1 =	srdreg.scid  }
0x8b: {  	s0 =	sand.u32 $0x1, s1  }
0x8c: {  	s17 =	sshll.u32 s0, $0xA;
	s2 =	sadd.s32 s3, s2  }
0x8d: {  	s2 =	sadd.s32 s2, s17  }
0x8e: {  	[smem:$0x3FC6] =	sst s2  }
0x8f: {  	_ = 	snop  }
0x90: {  	s2 =	sld [smem:$0x3FD0];
	(tm) =	ssettm $0x1  }
0x91: {  	s18 =	sld [smem:$0x3FFB];
	_ =	sdelay $0x3  }
0x92: {  	_ =	strace s18  }
0x93: {  	s3 =	sld [smem:$0x3FFC];
	_ =	sdelay $0x3  }
0x94: {  	_ =	strace s3  }
0x95: {  	s3 =	sld [smem:$0x3FFD];
	_ =	sdelay $0x3  }
0x96: {  	_ =	strace s3  }
0x97: {  	_ =	strace $0x8FFFFFFF  }
0x98: {  	s19 =	sld [smem:$0x3FDB];
	_ =	sdelay $0x1  }
0x99: {  	s4 =	simm.s32 $_scs_section_size  }
0x9a: {  	s5 =	simm.s32 $_size__tile_overlayer_lowered;
	s6 =	simm.s32 $_tile_overlayer_lowered  }
0x9b: {  	s22 =	simm.s32 $0x1BFF;
	s21 =	sshll.u32 s6, $0x1;
	s3 =	sadd.s32 s4, s19  }
0x9c: {  	s7 =	simm.s32 $0x0;
	s20 =	sshll.u32 s5, $0x1;
	s5 =	sadd.s32 s21, s3  }
0x9d: {  	[timem:s7], [sflag:s22] =	dma.local [hbm:s5], s20  }
0x9e: {  	_ =	swait.ge [sflag:s22], s20  }
0x9f: {  	s4 =	ssub.s32 $0x0, s20;
	[sflag:s22] =	ssyncset.done $0x0  }
0xa0: {  	[sflag:s22] =	ssyncadd.s32 s4;
	_ =	sdelay $0x1  }
0xa1: {  	s23 =	simm.s32 $0x1B8B  }
0xa2: {  	_ =	swait.ge [sflag:s23], $0x1  }
0xa3: {  	[sflag:s23] =	ssyncset.done $0x0  }
0xa4: {  	s25 =	simm.s32 $0x1B8E;
	s24 =	sld [smem:$0x3FFE];
	[sflag:s23] =	ssyncadd.s32 $0xFFFFFFFF  }
0xa5: {  	s26 =	simm.s32 $execute0_lowered;
	[smem:$0x3FD2] =	sst s25  }
0xa6: {  	s5 =	sshll.u32 s26, $0x1;
	_ =	strace $0x80000046;
	[dreg:$0x1] =	wrdreg $0xFFFFFFFF  }
0xa7: {  	s28 =	simm.s32 $_size_execute0_lowered;
	s3 =	sadd.s32 s3, s5;
	[dreg:$0x0] =	wrdreg $0x0  }
0xa8: {  	s5 =	sshll.u32 s28, $0x1;
	[dreg:$0x2] =	wrdreg s3  }
0xa9: {  	[dreg:$0x3] =	wrdreg s5  }
0xaa: {  	[dreg:$0x4] =	wrdreg $0xC0  }
0xab: {  	_ =	task [dreg:s7], $0x5FFFF  }
0xac: {  	[dreg:$0x1] =	wrdreg $0xFFFFFFFF  }
0xad: {  	[dreg:$0x0] =	wrdreg $0x60  }
0xae: {  	[dreg:$0x2] =	wrdreg s2  }
0xaf: {  	[dreg:$0x3] =	wrdreg s24  }
0xb0: {  	[dreg:$0x4] =	wrdreg $0x9  }
0xb1: {  	_ =	task.clear_ibuf [dreg:s7], $0x5FFFF;
	_ =	strace $0x90000046  }
0xb2: {  	s29 =	simm.s32 $0x9;
	_ =	strace $0x80000048  }
0xb3: {  	_ =	swait.ge [sflag:s29], $0x1  }
0xb4: {  	[sflag:s29] =	ssyncadd.s32 $0xFFFFFFFF  }
0xb5: {  	_ =	strace $0x90000048  }
0xb6: {  	_ =	sfence  }
0xb7: {  	s30 =	sld [smem:$0x0];
	_ =	sdelay $0x2  }
0xb8: {  	s31 =	sshll.u32 s1, $0xD;
	s1 =	sshrl.u32 s1, $0x2  }
0xb9: {  	s3 =	sand.u32 $0x4000, s31;
	s1 =	sadd.s32 s1, s30  }
0xba: {  	s0 =	sor.u32 s3, s0;
	s1 =	sshll.u32 s1, $0x11  }
0xbb: {  	s0 =	sor.u32 s1, s0  }
0xbc: {  	s0 =	sadd.s32 $0x8F2B, s0  }
0xbd: {  	[sflag:s0] =	ssyncadd.remote.s32 $0x1  }
0xbe: {  	_ =	sfence.sel $0xFFFF  }
0xbf: {  	[dreg:$0x0] =	wrdreg $0xFFFFFFFF;
	(pc) =	sbr.abs _section_cstart, $3  }
0xc0: {  	[dreg:$0x1] =	wrdreg $0xFFFFFFFF  }
0xc1: {  	_ =	task.clear_ibuf [dreg:s7], $0x2FFFF;
	_ =	strace $0x9FFFFFFF  }
0xc2: {  	(tm) =	ssettm $0x7FFFFFFF  }
0xc3: {  	_ =	shalt  }
tec
execute0_lowered:
.L_overlay_start_1:
0x0: {  	(tag) =	ssettag $0x1  }
0x1: {  	s5 =	rddreg [dreg:$0x0]  }
0x2: {  	s1 =	srdreg.scid;
	s0 =	stileid.u32  }
0x3: {  	s4 =	rddreg [dreg:$0x1];
	s2 =	simm.s32 $0x0;
	s11 =	simm.s32 $0x6400  }
0x4: {  	s12 =	simm.s32 $0xA400;
	s13 =	simm.s32 $0x1;
	s14 =	simm.s32 $0xE400  }
0x5: {  	s15 =	simm.s32 $0x2;
	s16 =	simm.s32 $0x12400;
	s17 =	simm.s32 $0x3  }
0x6: {  	s18 =	simm.s32 $0x4;
	s19 =	simm.s32 $0x5;
	s20 =	simm.s32 $0x6  }
0x7: {  	s21 =	simm.s32 $0x7;
	s3 =	sand.u32 $0x1, s1;
	s6 =	sshll.u32 s0, $0x1  }
0x8: {  	s22 =	simm.s32 $0x8;
	s1 =	rddreg [dreg:$0x2];
	s6 =	sor.u32 s3, s6  }
0x9: {  	s23 =	simm.s32 $0x0;
	[smem:$0x7FF] =	sst s2;
	s7 =	smul.u32 $0xC80, s6  }
.Ltmp0:
0xa: {  	_ =	strace $0x80000047;
	s8 =	ssub.s32 $0x2, s3;
	(pc) =	sbr.rel .LBB2_1-.Ltmp0, $4  }
0xb: {  	s3 =	sadd.s32 $0xF42E00, s4;
	s9 =	smul.u32 $0x64000, s6;
	s10 =	sshrl.u32 s8, $0x1  }
0xc: {  	s4 =	sadd.s32 $0xA00, s4;
	s6 =	smul.u32 $0x320000, s6;
	s8 =	ssub.s32 s8, s10  }
0xd: {  	s10 =	simm.s32 $0x80;
	s5 =	sadd.s32 s5, s7;
	s9 =	sadd.s32 s9, s4  }
0xe: {  	s7 =	smax.u32 s8, $0x1;
	s8 =	sadd.s32 $0x800, s9;
	s9 =	simm.s32 $0x9  }
.LBB2_12:
0xf: {  	_ =	swait.ge [sflag:s19], $0x4000  }
0x10: {  	[sflag:s19] =	ssyncset.done $0x0  }
0x11: {  	[sflag:s19] =	ssyncadd.s32 $0xFFFFC000  }
0x12: {  	_ =	swait.ge [sflag:s20], $0x4000  }
0x13: {  	[sflag:s20] =	ssyncset.done $0x0  }
0x14: {  	s23 =	sadd.s32 $0x1, s23;
	[sflag:s20] =	ssyncadd.s32 $0xFFFFC000  }
0x15: {  	p0 =	sne.s32 s23, s7;
	_ =	swait.ge [sflag:s21], $0x4000  }
.Ltmp1:
0x16: {  	[sflag:s21] =	ssyncset.done $0x0;
	(pc) =	sbr.rel @!p0 .LBB2_13-.Ltmp1, $4  }
0x17: {  	[sflag:s21] =	ssyncadd.s32 $0xFFFFC000  }
0x18: {  	_ =	swait.ge [sflag:s22], $0x4000  }
0x19: {  	[sflag:s22] =	ssyncset.done $0x0  }
0x1a: {  	[sflag:s22] =	ssyncadd.s32 $0xFFFFC000  }
.LBB2_1:
0x1b: {  	[tilespmem:s2], [sflag:$0x9] =	stream.linear.gather [hbm4b:s5+s2], $0x6400, $0x38;
	[tilespmem:$0x16400] =	vst v63  }
0x1c: {  	_ =	swait.ge [sflag:s9], $0x6400  }
0x1d: {  	[sflag:s9] =	ssyncset.done $0x0  }
0x1e: {  	[sflag:s9] =	ssyncadd.s32 $0xFFFF9C00  }
0x1f: {  	[tilespmem:s11], [sflag:$0x1] =	stream.indirect.gather [hbm4b:s3+s10], $0x80, s2, s10, $0xb8;
	[tilespmem:$0x16400] =	vst v63  }
0x20: {  	s24 =	simm.s32 $0x0  }
0x21: {  	[tilespmem:s12], [sflag:$0x2] =	stream.indirect.gather [hbm4b:s3+s10], $0x80, s10, s10, $0xb8;
	[tilespmem:$0x16400] =	vst v63  }
.LBB2_2:
0x22: {  	_ =	swait.ge [sflag:s13], $0x4000  }
0x23: {  	[sflag:s13] =	ssyncset.done $0x0  }
0x24: {  	s25 =	simm.s32 $0x0;
	[sflag:s13] =	ssyncadd.s32 $0xFFFFC000  }
0x25: {  	v0 =	vld [tilespmem:s25+$0x6400]  }
0x26: {  	v1 =	vld [tilespmem:s25+$0x6410]  }
0x27: {  	v2 =	vld [tilespmem:s25+$0x6420]  }
0x28: {  	v3 =	vld [tilespmem:s25+$0x6430]  }
0x29: {  	v4 =	vld [tilespmem:s25+$0x6480]  }
0x2a: {  	v5 =	vld [tilespmem:s25+$0x6490];
	v0 =	vmul.f32 $8.000000000e+00, v0  }
0x2b: {  	v6 =	vld [tilespmem:s25+$0x64A0];
	v1 =	vmul.f32 $8.000000000e+00, v1  }
0x2c: {  	v7 =	vld [tilespmem:s25+$0x64B0];
	[tilespmem:s25+$0x6400] =	vst v0;
	v0 =	vmul.f32 $8.000000000e+00, v2  }
0x2d: {  	v8 =	vld [tilespmem:s25+$0x6500];
	[tilespmem:s25+$0x6410] =	vst v1;
	v1 =	vmul.f32 $8.000000000e+00, v3  }
0x2e: {  	v9 =	vld [tilespmem:s25+$0x6510];
	[tilespmem:s25+$0x6420] =	vst v0;
	v0 =	vmul.f32 $8.000000000e+00, v4  }
0x2f: {  	v2 =	vmul.f32 $8.000000000e+00, v5;
	[tilespmem:s25+$0x6430] =	vst v1;
	v1 =	vld [tilespmem:s25+$0x6520]  }
0x30: {  	v3 =	vmul.f32 $8.000000000e+00, v6;
	[tilespmem:s25+$0x6480] =	vst v0;
	v0 =	vld [tilespmem:s25+$0x6530]  }
0x31: {  	[tilespmem:s25+$0x6490] =	vst v2;
	v2 =	vld [tilespmem:s25+$0x6580];
	v4 =	vmul.f32 $8.000000000e+00, v7  }
0x32: {  	v6 =	vmul.f32 $8.000000000e+00, v8;
	[tilespmem:s25+$0x64A0] =	vst v3;
	v3 =	vld [tilespmem:s25+$0x6590]  }
0x33: {  	s26 =	simm.s32 $0x800;
	v5 =	vmul.f32 $8.000000000e+00, v9;
	[tilespmem:s25+$0x64B0] =	vst v4;
	v4 =	vld [tilespmem:s25+$0x65A0]  }
.LBB2_3:
0x34: {  	s28 =	sshra.s32 s26, $0x2;
	p0 =	sne.s32 s26, $0xF800;
	[tilespmem:s25+$0x6500] =	vst v6;
	v1 =	vmul.f32 $8.000000000e+00, v1;
	v6 =	vld [tilespmem:s25+$0x65B0]  }
0x35: {  	v7 =	vld [tilespmem:s28+$0x6400];
	[tilespmem:s25+$0x6510] =	vst v5;
	v0 =	vmul.f32 $8.000000000e+00, v0  }
0x36: {  	v5 =	vld [tilespmem:s28+$0x6410];
	[tilespmem:s25+$0x6520] =	vst v1;
	v1 =	vmul.f32 $8.000000000e+00, v2  }
0x37: {  	v2 =	vld [tilespmem:s28+$0x6420];
	[tilespmem:s25+$0x6530] =	vst v0;
	v0 =	vmul.f32 $8.000000000e+00, v3  }
0x38: {  	v3 =	vld [tilespmem:s28+$0x6430];
	[tilespmem:s25+$0x6580] =	vst v1;
	v1 =	vmul.f32 $8.000000000e+00, v4  }
0x39: {  	v4 =	vld [tilespmem:s28+$0x6480];
	[tilespmem:s25+$0x6590] =	vst v0;
	v0 =	vmul.f32 $8.000000000e+00, v6  }
0x3a: {  	v6 =	vmul.f32 $8.000000000e+00, v7;
	v7 =	vld [tilespmem:s28+$0x6490];
	[tilespmem:s25+$0x65A0] =	vst v1  }
0x3b: {  	v1 =	vmul.f32 $8.000000000e+00, v5;
	v5 =	vld [tilespmem:s28+$0x64A0];
	[tilespmem:s25+$0x65B0] =	vst v0;
	s25 =	smov.u32 s28  }
0x3c: {  	[tilespmem:s25+$0x6400] =	vst v6;
	v0 =	vmul.f32 $8.000000000e+00, v2;
	v2 =	vld [tilespmem:s25+$0x64B0]  }
0x3d: {  	[tilespmem:s25+$0x6410] =	vst v1;
	v1 =	vmul.f32 $8.000000000e+00, v3;
	v3 =	vld [tilespmem:s25+$0x6500]  }
0x3e: {  	[tilespmem:s25+$0x6420] =	vst v0;
	v0 =	vmul.f32 $8.000000000e+00, v4;
	v4 =	vld [tilespmem:s25+$0x6510]  }
.Ltmp2:
0x3f: {  	[tilespmem:s25+$0x6430] =	vst v1;
	v6 =	vmul.f32 $8.000000000e+00, v7;
	v1 =	vld [tilespmem:s25+$0x6520];
	(pc) =	sbr.rel @p0 .LBB2_3-.Ltmp2, $4  }
0x40: {  	[tilespmem:s25+$0x6480] =	vst v0;
	v5 =	vmul.f32 $8.000000000e+00, v5;
	v0 =	vld [tilespmem:s25+$0x6530]  }
0x41: {  	[tilespmem:s25+$0x6490] =	vst v6;
	v7 =	vmul.f32 $8.000000000e+00, v2;
	v2 =	vld [tilespmem:s25+$0x6580]  }
0x42: {  	[tilespmem:s25+$0x64A0] =	vst v5;
	v6 =	vmul.f32 $8.000000000e+00, v3;
	v3 =	vld [tilespmem:s25+$0x6590]  }
0x43: {  	s26 =	sadd.s32 $0x800, s26;
	[tilespmem:s25+$0x64B0] =	vst v7;
	v5 =	vmul.f32 $8.000000000e+00, v4;
	v4 =	vld [tilespmem:s25+$0x65A0]  }
0x44: {  	[tilespmem:s25+$0x6500] =	vst v6;
	v1 =	vmul.f32 $8.000000000e+00, v1;
	v6 =	vld [tilespmem:s25+$0x65B0]  }
0x45: {  	[tilespmem:s25+$0x6510] =	vst v5;
	v0 =	vmul.f32 $8.000000000e+00, v0  }
0x46: {  	[tilespmem:s25+$0x6520] =	vst v1;
	v1 =	vmul.f32 $8.000000000e+00, v2  }
0x47: {  	[tilespmem:s25+$0x6530] =	vst v0;
	v0 =	vmul.f32 $8.000000000e+00, v3  }
0x48: {  	s26 =	sshll.u32 s24, $0x10;
	[tilespmem:s25+$0x6580] =	vst v1;
	v1 =	vmul.f32 $8.000000000e+00, v4  }
0x49: {  	s26 =	sadd.s32 s6, s26;
	[tilespmem:s25+$0x6590] =	vst v0;
	v0 =	vmul.f32 $8.000000000e+00, v6  }
0x4a: {  	p0 =	seq.s32 s24, $0x0;
	s26 =	sshrl.u32 s26, $0x3;
	[tilespmem:s25+$0x65A0] =	vst v1  }
0x4b: {  	s28 =	simm.s32 @!p0 $0x7;
	s31 =	sadd.s32 s4, s26;
	[tilespmem:s25+$0x65B0] =	vst v0;
	s25 =	sshll.u32 s24, $0x2  }
0x4c: {  	[hbm4b:s31+s2] =	stream.linear.scatter [tilespmem:s11], [sflag:$0x5], $0x4000, $0x38;
	[tilespmem:$0x16400] =	vst v63  }
0x4d: {  	s26 =	sor.u32 $0x2, s25;
	_ =	swait.ge @!p0 [sflag:s28], $0x4000  }
0x4e: {  	s29 =	sshll.u32 s26, $0x7;
	[sflag:s28] =	ssyncset.done @!p0 $0x0  }
0x4f: {  	[sflag:s28] =	ssyncadd.s32 @!p0 $0xFFFFC000;
	s28 =	sand.u32 $0x3FFFFF80, s29  }
0x50: {  	[tilespmem:s14], [sflag:$0x3] =	stream.indirect.gather [hbm4b:s3+s10], $0x80, s28, s10, $0xb8;
	[tilespmem:$0x16400] =	vst v63  }
0x51: {  	_ =	swait.ge [sflag:s15], $0x4000  }
0x52: {  	[sflag:s15] =	ssyncset.done $0x0  }
0x53: {  	s28 =	simm.s32 $0x0;
	[sflag:s15] =	ssyncadd.s32 $0xFFFFC000  }
0x54: {  	v0 =	vld [tilespmem:s28+$0xA400]  }
0x55: {  	v1 =	vld [tilespmem:s28+$0xA410]  }
0x56: {  	v2 =	vld [tilespmem:s28+$0xA420]  }
0x57: {  	v3 =	vld [tilespmem:s28+$0xA430]  }
0x58: {  	v4 =	vld [tilespmem:s28+$0xA480]  }
0x59: {  	v5 =	vld [tilespmem:s28+$0xA490];
	v0 =	vmul.f32 $8.000000000e+00, v0  }
0x5a: {  	v6 =	vld [tilespmem:s28+$0xA4A0];
	v1 =	vmul.f32 $8.000000000e+00, v1  }
0x5b: {  	v7 =	vld [tilespmem:s28+$0xA4B0];
	[tilespmem:s28+$0xA400] =	vst v0;
	v0 =	vmul.f32 $8.000000000e+00, v2  }
0x5c: {  	v8 =	vld [tilespmem:s28+$0xA500];
	[tilespmem:s28+$0xA410] =	vst v1;
	v1 =	vmul.f32 $8.000000000e+00, v3  }
0x5d: {  	v9 =	vld [tilespmem:s28+$0xA510];
	[tilespmem:s28+$0xA420] =	vst v0;
	v0 =	vmul.f32 $8.000000000e+00, v4  }
0x5e: {  	v2 =	vmul.f32 $8.000000000e+00, v5;
	[tilespmem:s28+$0xA430] =	vst v1;
	v1 =	vld [tilespmem:s28+$0xA520]  }
0x5f: {  	v3 =	vmul.f32 $8.000000000e+00, v6;
	[tilespmem:s28+$0xA480] =	vst v0;
	v0 =	vld [tilespmem:s28+$0xA530]  }
0x60: {  	[tilespmem:s28+$0xA490] =	vst v2;
	v2 =	vld [tilespmem:s28+$0xA580];
	v4 =	vmul.f32 $8.000000000e+00, v7  }
0x61: {  	v6 =	vmul.f32 $8.000000000e+00, v8;
	[tilespmem:s28+$0xA4A0] =	vst v3;
	v3 =	vld [tilespmem:s28+$0xA590]  }
0x62: {  	s29 =	simm.s32 $0x800;
	v5 =	vmul.f32 $8.000000000e+00, v9;
	[tilespmem:s28+$0xA4B0] =	vst v4;
	v4 =	vld [tilespmem:s28+$0xA5A0]  }
.LBB2_5:
0x63: {  	s30 =	sshra.s32 s29, $0x2;
	p1 =	sne.s32 s29, $0xF800;
	[tilespmem:s28+$0xA500] =	vst v6;
	v1 =	vmul.f32 $8.000000000e+00, v1;
	v6 =	vld [tilespmem:s28+$0xA5B0]  }
0x64: {  	v7 =	vld [tilespmem:s30+$0xA400];
	[tilespmem:s28+$0xA510] =	vst v5;
	v0 =	vmul.f32 $8.000000000e+00, v0  }
0x65: {  	v5 =	vld [tilespmem:s30+$0xA410];
	[tilespmem:s28+$0xA520] =	vst v1;
	v1 =	vmul.f32 $8.000000000e+00, v2  }
0x66: {  	v2 =	vld [tilespmem:s30+$0xA420];
	[tilespmem:s28+$0xA530] =	vst v0;
	v0 =	vmul.f32 $8.000000000e+00, v3  }
0x67: {  	v3 =	vld [tilespmem:s30+$0xA430];
	[tilespmem:s28+$0xA580] =	vst v1;
	v1 =	vmul.f32 $8.000000000e+00, v4  }
0x68: {  	v4 =	vld [tilespmem:s30+$0xA480];
	[tilespmem:s28+$0xA590] =	vst v0;
	v0 =	vmul.f32 $8.000000000e+00, v6  }
0x69: {  	v6 =	vmul.f32 $8.000000000e+00, v7;
	v7 =	vld [tilespmem:s30+$0xA490];
	[tilespmem:s28+$0xA5A0] =	vst v1  }
0x6a: {  	v1 =	vmul.f32 $8.000000000e+00, v5;
	v5 =	vld [tilespmem:s30+$0xA4A0];
	[tilespmem:s28+$0xA5B0] =	vst v0;
	s28 =	smov.u32 s30  }
0x6b: {  	[tilespmem:s28+$0xA400] =	vst v6;
	v0 =	vmul.f32 $8.000000000e+00, v2;
	v2 =	vld [tilespmem:s28+$0xA4B0]  }
0x6c: {  	[tilespmem:s28+$0xA410] =	vst v1;
	v1 =	vmul.f32 $8.000000000e+00, v3;
	v3 =	vld [tilespmem:s28+$0xA500]  }
0x6d: {  	[tilespmem:s28+$0xA420] =	vst v0;
	v0 =	vmul.f32 $8.000000000e+00, v4;
	v4 =	vld [tilespmem:s28+$0xA510]  }
.Ltmp3:
0x6e: {  	[tilespmem:s28+$0xA430] =	vst v1;
	v6 =	vmul.f32 $8.000000000e+00, v7;
	v1 =	vld [tilespmem:s28+$0xA520];
	(pc) =	sbr.rel @p1 .LBB2_5-.Ltmp3, $4  }
0x6f: {  	[tilespmem:s28+$0xA480] =	vst v0;
	v5 =	vmul.f32 $8.000000000e+00, v5;
	v0 =	vld [tilespmem:s28+$0xA530]  }
0x70: {  	[tilespmem:s28+$0xA490] =	vst v6;
	v7 =	vmul.f32 $8.000000000e+00, v2;
	v2 =	vld [tilespmem:s28+$0xA580]  }
0x71: {  	[tilespmem:s28+$0xA4A0] =	vst v5;
	v6 =	vmul.f32 $8.000000000e+00, v3;
	v3 =	vld [tilespmem:s28+$0xA590]  }
0x72: {  	s29 =	sadd.s32 $0x800, s29;
	[tilespmem:s28+$0xA4B0] =	vst v7;
	v5 =	vmul.f32 $8.000000000e+00, v4;
	v4 =	vld [tilespmem:s28+$0xA5A0]  }
0x73: {  	[tilespmem:s28+$0xA500] =	vst v6;
	v1 =	vmul.f32 $8.000000000e+00, v1;
	v6 =	vld [tilespmem:s28+$0xA5B0]  }
0x74: {  	[tilespmem:s28+$0xA510] =	vst v5;
	v0 =	vmul.f32 $8.000000000e+00, v0  }
0x75: {  	[tilespmem:s28+$0xA520] =	vst v1;
	v1 =	vmul.f32 $8.000000000e+00, v2  }
0x76: {  	[tilespmem:s28+$0xA530] =	vst v0;
	v0 =	vmul.f32 $8.000000000e+00, v3  }
0x77: {  	[tilespmem:s28+$0xA580] =	vst v1;
	v1 =	vmul.f32 $8.000000000e+00, v4  }
0x78: {  	[tilespmem:s28+$0xA590] =	vst v0;
	v0 =	vmul.f32 $8.000000000e+00, v6  }
0x79: {  	s29 =	sshll.u32 s24, $0xD;
	[tilespmem:s28+$0xA5A0] =	vst v1  }
0x7a: {  	[tilespmem:s28+$0xA5B0] =	vst v0;
	s28 =	sadd.s32 s8, s29  }
0x7b: {  	[hbm4b:s28+s2] =	stream.linear.scatter [tilespmem:s12], [sflag:$0x6], $0x4000, $0x38;
	[tilespmem:$0x16400] =	vst v63  }
0x7c: {  	s28 =	simm.s32 @!p0 $0x8  }
0x7d: {  	s25 =	sor.u32 $0x3, s25;
	_ =	swait.ge @!p0 [sflag:s28], $0x4000  }
0x7e: {  	s29 =	sshll.u32 s25, $0x7;
	[sflag:s28] =	ssyncset.done @!p0 $0x0  }
0x7f: {  	[sflag:s28] =	ssyncadd.s32 @!p0 $0xFFFFC000;
	s28 =	sand.u32 $0x3FFFFF80, s29  }
0x80: {  	[tilespmem:s16], [sflag:$0x4] =	stream.indirect.gather [hbm4b:s3+s10], $0x80, s28, s10, $0xb8;
	[tilespmem:$0x16400] =	vst v63  }
0x81: {  	_ =	swait.ge [sflag:s17], $0x4000  }
0x82: {  	[sflag:s17] =	ssyncset.done $0x0  }
0x83: {  	s28 =	simm.s32 $0x0;
	[sflag:s17] =	ssyncadd.s32 $0xFFFFC000  }
0x84: {  	v0 =	vld [tilespmem:s28+$0xE400]  }
0x85: {  	v1 =	vld [tilespmem:s28+$0xE410]  }
0x86: {  	v2 =	vld [tilespmem:s28+$0xE420]  }
0x87: {  	v3 =	vld [tilespmem:s28+$0xE430]  }
0x88: {  	v4 =	vld [tilespmem:s28+$0xE480]  }
0x89: {  	v5 =	vld [tilespmem:s28+$0xE490];
	v0 =	vmul.f32 $8.000000000e+00, v0  }
0x8a: {  	v6 =	vld [tilespmem:s28+$0xE4A0];
	v1 =	vmul.f32 $8.000000000e+00, v1  }
0x8b: {  	v7 =	vld [tilespmem:s28+$0xE4B0];
	[tilespmem:s28+$0xE400] =	vst v0;
	v0 =	vmul.f32 $8.000000000e+00, v2  }
0x8c: {  	v8 =	vld [tilespmem:s28+$0xE500];
	[tilespmem:s28+$0xE410] =	vst v1;
	v1 =	vmul.f32 $8.000000000e+00, v3  }
0x8d: {  	v9 =	vld [tilespmem:s28+$0xE510];
	[tilespmem:s28+$0xE420] =	vst v0;
	v0 =	vmul.f32 $8.000000000e+00, v4  }
0x8e: {  	v2 =	vmul.f32 $8.000000000e+00, v5;
	[tilespmem:s28+$0xE430] =	vst v1;
	v1 =	vld [tilespmem:s28+$0xE520]  }
0x8f: {  	v3 =	vmul.f32 $8.000000000e+00, v6;
	[tilespmem:s28+$0xE480] =	vst v0;
	v0 =	vld [tilespmem:s28+$0xE530]  }
0x90: {  	[tilespmem:s28+$0xE490] =	vst v2;
	v2 =	vld [tilespmem:s28+$0xE580];
	v4 =	vmul.f32 $8.000000000e+00, v7  }
0x91: {  	v6 =	vmul.f32 $8.000000000e+00, v8;
	[tilespmem:s28+$0xE4A0] =	vst v3;
	v3 =	vld [tilespmem:s28+$0xE590]  }
0x92: {  	s29 =	simm.s32 $0x800;
	v5 =	vmul.f32 $8.000000000e+00, v9;
	[tilespmem:s28+$0xE4B0] =	vst v4;
	v4 =	vld [tilespmem:s28+$0xE5A0]  }
.LBB2_7:
0x93: {  	s30 =	sshra.s32 s29, $0x2;
	p0 =	sne.s32 s29, $0xF800;
	[tilespmem:s28+$0xE500] =	vst v6;
	v1 =	vmul.f32 $8.000000000e+00, v1;
	v6 =	vld [tilespmem:s28+$0xE5B0]  }
0x94: {  	v7 =	vld [tilespmem:s30+$0xE400];
	[tilespmem:s28+$0xE510] =	vst v5;
	v0 =	vmul.f32 $8.000000000e+00, v0  }
0x95: {  	v5 =	vld [tilespmem:s30+$0xE410];
	[tilespmem:s28+$0xE520] =	vst v1;
	v1 =	vmul.f32 $8.000000000e+00, v2  }
0x96: {  	v2 =	vld [tilespmem:s30+$0xE420];
	[tilespmem:s28+$0xE530] =	vst v0;
	v0 =	vmul.f32 $8.000000000e+00, v3  }
0x97: {  	v3 =	vld [tilespmem:s30+$0xE430];
	[tilespmem:s28+$0xE580] =	vst v1;
	v1 =	vmul.f32 $8.000000000e+00, v4  }
0x98: {  	v4 =	vld [tilespmem:s30+$0xE480];
	[tilespmem:s28+$0xE590] =	vst v0;
	v0 =	vmul.f32 $8.000000000e+00, v6  }
0x99: {  	v6 =	vmul.f32 $8.000000000e+00, v7;
	v7 =	vld [tilespmem:s30+$0xE490];
	[tilespmem:s28+$0xE5A0] =	vst v1  }
0x9a: {  	v1 =	vmul.f32 $8.000000000e+00, v5;
	v5 =	vld [tilespmem:s30+$0xE4A0];
	[tilespmem:s28+$0xE5B0] =	vst v0;
	s28 =	smov.u32 s30  }
0x9b: {  	[tilespmem:s28+$0xE400] =	vst v6;
	v0 =	vmul.f32 $8.000000000e+00, v2;
	v2 =	vld [tilespmem:s28+$0xE4B0]  }
0x9c: {  	[tilespmem:s28+$0xE410] =	vst v1;
	v1 =	vmul.f32 $8.000000000e+00, v3;
	v3 =	vld [tilespmem:s28+$0xE500]  }
0x9d: {  	[tilespmem:s28+$0xE420] =	vst v0;
	v0 =	vmul.f32 $8.000000000e+00, v4;
	v4 =	vld [tilespmem:s28+$0xE510]  }
.Ltmp4:
0x9e: {  	[tilespmem:s28+$0xE430] =	vst v1;
	v6 =	vmul.f32 $8.000000000e+00, v7;
	v1 =	vld [tilespmem:s28+$0xE520];
	(pc) =	sbr.rel @p0 .LBB2_7-.Ltmp4, $4  }
0x9f: {  	[tilespmem:s28+$0xE480] =	vst v0;
	v5 =	vmul.f32 $8.000000000e+00, v5;
	v0 =	vld [tilespmem:s28+$0xE530]  }
0xa0: {  	[tilespmem:s28+$0xE490] =	vst v6;
	v7 =	vmul.f32 $8.000000000e+00, v2;
	v2 =	vld [tilespmem:s28+$0xE580]  }
0xa1: {  	[tilespmem:s28+$0xE4A0] =	vst v5;
	v6 =	vmul.f32 $8.000000000e+00, v3;
	v3 =	vld [tilespmem:s28+$0xE590]  }
0xa2: {  	s29 =	sadd.s32 $0x800, s29;
	[tilespmem:s28+$0xE4B0] =	vst v7;
	v5 =	vmul.f32 $8.000000000e+00, v4;
	v4 =	vld [tilespmem:s28+$0xE5A0]  }
0xa3: {  	[tilespmem:s28+$0xE500] =	vst v6;
	v1 =	vmul.f32 $8.000000000e+00, v1;
	v6 =	vld [tilespmem:s28+$0xE5B0]  }
0xa4: {  	[tilespmem:s28+$0xE510] =	vst v5;
	v0 =	vmul.f32 $8.000000000e+00, v0  }
0xa5: {  	[tilespmem:s28+$0xE520] =	vst v1;
	v1 =	vmul.f32 $8.000000000e+00, v2  }
0xa6: {  	[tilespmem:s28+$0xE530] =	vst v0;
	v0 =	vmul.f32 $8.000000000e+00, v3  }
0xa7: {  	s26 =	sshll.u32 s26, $0xE;
	[tilespmem:s28+$0xE580] =	vst v1;
	v1 =	vmul.f32 $8.000000000e+00, v4  }
0xa8: {  	s26 =	sadd.s32 s6, s26;
	[tilespmem:s28+$0xE590] =	vst v0;
	v0 =	vmul.f32 $8.000000000e+00, v6  }
0xa9: {  	s26 =	sshrl.u32 s26, $0x3;
	[tilespmem:s28+$0xE5A0] =	vst v1  }
0xaa: {  	p0 =	seq.s32 s24, $0x31;
	s26 =	sadd.s32 s4, s26;
	[tilespmem:s28+$0xE5B0] =	vst v0  }
0xab: {  	[hbm4b:s26+s2] =	stream.linear.scatter [tilespmem:s14], [sflag:$0x7], $0x4000, $0x38;
	[tilespmem:$0x16400] =	vst v63  }
0xac: {  	s26 =	simm.s32 @!p0 $0x5  }
0xad: {  	_ =	swait.ge @!p0 [sflag:s26], $0x4000  }
0xae: {  	s28 =	sshll.u32 @!p0 s24, $0x9;
	[sflag:s26] =	ssyncset.done @!p0 $0x0  }
0xaf: {  	[sflag:s26] =	ssyncadd.s32 @!p0 $0xFFFFC000;
	s26 =	sand.u32 @!p0 $0x3FFFFE00, s28  }
0xb0: {  	s29 =	simm.s32 @!p0 $0x6400;
	s28 =	simm.s32 @!p0 $0x80;
	s26 =	sadd.s32 @!p0 $0x200, s26  }
0xb1: {  	[tilespmem:s29], [sflag:$0x1] =	stream.indirect.gather @!p0 [hbm4b:s3+s28], $0x80, s26, s28, $0xb8;
	[tilespmem:$0x16400] =	vst v63  }
0xb2: {  	_ =	swait.ge [sflag:s18], $0x4000  }
0xb3: {  	[sflag:s18] =	ssyncset.done $0x0  }
0xb4: {  	s26 =	simm.s32 $0x0;
	[sflag:s18] =	ssyncadd.s32 $0xFFFFC000  }
0xb5: {  	v0 =	vld [tilespmem:s26+$0x12400]  }
0xb6: {  	v1 =	vld [tilespmem:s26+$0x12410]  }
0xb7: {  	v2 =	vld [tilespmem:s26+$0x12420]  }
0xb8: {  	v3 =	vld [tilespmem:s26+$0x12430]  }
0xb9: {  	v4 =	vld [tilespmem:s26+$0x12480]  }
0xba: {  	v5 =	vld [tilespmem:s26+$0x12490];
	v0 =	vmul.f32 $8.000000000e+00, v0  }
0xbb: {  	v6 =	vld [tilespmem:s26+$0x124A0];
	v1 =	vmul.f32 $8.000000000e+00, v1  }
0xbc: {  	v7 =	vld [tilespmem:s26+$0x124B0];
	[tilespmem:s26+$0x12400] =	vst v0;
	v0 =	vmul.f32 $8.000000000e+00, v2  }
0xbd: {  	v8 =	vld [tilespmem:s26+$0x12500];
	[tilespmem:s26+$0x12410] =	vst v1;
	v1 =	vmul.f32 $8.000000000e+00, v3  }
0xbe: {  	v9 =	vld [tilespmem:s26+$0x12510];
	[tilespmem:s26+$0x12420] =	vst v0;
	v0 =	vmul.f32 $8.000000000e+00, v4  }
0xbf: {  	v2 =	vmul.f32 $8.000000000e+00, v5;
	[tilespmem:s26+$0x12430] =	vst v1;
	v1 =	vld [tilespmem:s26+$0x12520]  }
0xc0: {  	v3 =	vmul.f32 $8.000000000e+00, v6;
	[tilespmem:s26+$0x12480] =	vst v0;
	v0 =	vld [tilespmem:s26+$0x12530]  }
0xc1: {  	[tilespmem:s26+$0x12490] =	vst v2;
	v2 =	vld [tilespmem:s26+$0x12580];
	v4 =	vmul.f32 $8.000000000e+00, v7  }
0xc2: {  	v6 =	vmul.f32 $8.000000000e+00, v8;
	[tilespmem:s26+$0x124A0] =	vst v3;
	v3 =	vld [tilespmem:s26+$0x12590]  }
0xc3: {  	s28 =	simm.s32 $0x800;
	v5 =	vmul.f32 $8.000000000e+00, v9;
	[tilespmem:s26+$0x124B0] =	vst v4;
	v4 =	vld [tilespmem:s26+$0x125A0]  }
.LBB2_9:
0xc4: {  	s29 =	sshra.s32 s28, $0x2;
	p1 =	sne.s32 s28, $0xF800;
	[tilespmem:s26+$0x12500] =	vst v6;
	v1 =	vmul.f32 $8.000000000e+00, v1;
	v6 =	vld [tilespmem:s26+$0x125B0]  }
0xc5: {  	v7 =	vld [tilespmem:s29+$0x12400];
	[tilespmem:s26+$0x12510] =	vst v5;
	v0 =	vmul.f32 $8.000000000e+00, v0  }
0xc6: {  	v5 =	vld [tilespmem:s29+$0x12410];
	[tilespmem:s26+$0x12520] =	vst v1;
	v1 =	vmul.f32 $8.000000000e+00, v2  }
0xc7: {  	v2 =	vld [tilespmem:s29+$0x12420];
	[tilespmem:s26+$0x12530] =	vst v0;
	v0 =	vmul.f32 $8.000000000e+00, v3  }
0xc8: {  	v3 =	vld [tilespmem:s29+$0x12430];
	[tilespmem:s26+$0x12580] =	vst v1;
	v1 =	vmul.f32 $8.000000000e+00, v4  }
0xc9: {  	v4 =	vld [tilespmem:s29+$0x12480];
	[tilespmem:s26+$0x12590] =	vst v0;
	v0 =	vmul.f32 $8.000000000e+00, v6  }
0xca: {  	v6 =	vmul.f32 $8.000000000e+00, v7;
	v7 =	vld [tilespmem:s29+$0x12490];
	[tilespmem:s26+$0x125A0] =	vst v1  }
0xcb: {  	v1 =	vmul.f32 $8.000000000e+00, v5;
	v5 =	vld [tilespmem:s29+$0x124A0];
	[tilespmem:s26+$0x125B0] =	vst v0;
	s26 =	smov.u32 s29  }
0xcc: {  	[tilespmem:s26+$0x12400] =	vst v6;
	v0 =	vmul.f32 $8.000000000e+00, v2;
	v2 =	vld [tilespmem:s26+$0x124B0]  }
0xcd: {  	[tilespmem:s26+$0x12410] =	vst v1;
	v1 =	vmul.f32 $8.000000000e+00, v3;
	v3 =	vld [tilespmem:s26+$0x12500]  }
0xce: {  	[tilespmem:s26+$0x12420] =	vst v0;
	v0 =	vmul.f32 $8.000000000e+00, v4;
	v4 =	vld [tilespmem:s26+$0x12510]  }
.Ltmp5:
0xcf: {  	[tilespmem:s26+$0x12430] =	vst v1;
	v6 =	vmul.f32 $8.000000000e+00, v7;
	v1 =	vld [tilespmem:s26+$0x12520];
	(pc) =	sbr.rel @p1 .LBB2_9-.Ltmp5, $4  }
0xd0: {  	[tilespmem:s26+$0x12480] =	vst v0;
	v5 =	vmul.f32 $8.000000000e+00, v5;
	v0 =	vld [tilespmem:s26+$0x12530]  }
0xd1: {  	[tilespmem:s26+$0x12490] =	vst v6;
	v7 =	vmul.f32 $8.000000000e+00, v2;
	v2 =	vld [tilespmem:s26+$0x12580]  }
0xd2: {  	[tilespmem:s26+$0x124A0] =	vst v5;
	v6 =	vmul.f32 $8.000000000e+00, v3;
	v3 =	vld [tilespmem:s26+$0x12590]  }
0xd3: {  	s28 =	sadd.s32 $0x800, s28;
	[tilespmem:s26+$0x124B0] =	vst v7;
	v5 =	vmul.f32 $8.000000000e+00, v4;
	v4 =	vld [tilespmem:s26+$0x125A0]  }
0xd4: {  	[tilespmem:s26+$0x12500] =	vst v6;
	v1 =	vmul.f32 $8.000000000e+00, v1;
	v59 =	vld [tilespmem:s26+$0x125B0]  }
0xd5: {  	[tilespmem:s26+$0x12510] =	vst v5;
	v0 =	vmul.f32 $8.000000000e+00, v0  }
0xd6: {  	[tilespmem:s26+$0x12520] =	vst v1;
	v60 =	vmul.f32 $8.000000000e+00, v2  }
0xd7: {  	[tilespmem:s26+$0x12530] =	vst v0;
	v61 =	vmul.f32 $8.000000000e+00, v3  }
.Ltmp6:
0xd8: {  	s25 =	sshll.u32 s25, $0xE;
	[tilespmem:s26+$0x12580] =	vst v60;
	v62 =	vmul.f32 $8.000000000e+00, v4;
	(pc) =	sbr.rel @p0 .LBB2_12-.Ltmp6, $4  }
0xd9: {  	s25 =	sadd.s32 s6, s25;
	[tilespmem:s26+$0x12590] =	vst v61;
	v63 =	vmul.f32 $8.000000000e+00, v59  }
0xda: {  	s25 =	sshrl.u32 s25, $0x3;
	[tilespmem:s26+$0x125A0] =	vst v62  }
0xdb: {  	s25 =	sadd.s32 s4, s25;
	[tilespmem:s26+$0x125B0] =	vst v63  }
0xdc: {  	[hbm4b:s25+s2] =	stream.linear.scatter [tilespmem:s16], [sflag:$0x8], $0x4000, $0x38;
	[tilespmem:$0x16400] =	vst v63  }
.Ltmp7:
0xdd: {  	(pc) =	sbr.rel .LBB2_2-.Ltmp7, $4  }
0xde: {  	_ =	swait.ge [sflag:s20], $0x4000;
	s25 =	sshll.u32 s24, $0x9  }
0xdf: {  	[sflag:s20] =	ssyncset.done $0x0;
	s25 =	sand.u32 $0x3FFFFE00, s25  }
0xe0: {  	s24 =	sadd.s32 $0x1, s24;
	[sflag:s20] =	ssyncadd.s32 $0xFFFFC000;
	s25 =	sadd.s32 $0x280, s25  }
0xe1: {  	[tilespmem:s12], [sflag:$0x2] =	stream.indirect.gather [hbm4b:s3+s10], $0x80, s25, s10, $0xb8;
	[tilespmem:$0x16400] =	vst v63  }
.LBB2_13:
0xe2: {  	_ =	sfence.sel $0x180000  }
0xe3: {  	[bflag:$0x0] =	sbarrier.arrive $0xFFFF  }
0xe4: {  	p0 =	sne.s32 s0, $0x0;
	_ =	strace $0x90000047  }
0xe5: {  	s0 =	sadd.s32 @!p0 $0x100000, s1;
	[bflag:$0x2] =	sbarrier.arrive $0xFFFF  }
0xe6: {  	[sflag:s0] =	ssyncadd.tile.s32 @!p0 $0x1;
	_ =	shalt  }
.Lfunc_end2:
_tile_overlayer_lowered:
.L_overlay_start_2:
0xe7: {  	(tag) =	ssettag $0x2  }
0xe8: {  	s0 =	rddreg [dreg:$0x0];
	s2 =	stileid.u32  }
0xe9: {  	s1 =	rddreg [dreg:$0x1];
	p0 =	sne.s32 s2, $0x0  }
0xea: {  	s3 =	rddreg [dreg:$0x2];
	[bflag:$0x3] =	sbarrier.arrive $0xFFFF;
	s2 =	simm.s32 @!p0 $0x1C09  }
0xeb: {  	[timem:s3], [sflag:s2] =	dma.local @!p0 [hbm:s0], s1  }
0xec: {  	s0 =	simm.s32 @!p0 $0x9  }
0xed: {  	_ =	swait.ge @!p0 [sflag:s0], s1  }
0xee: {  	s1 =	ssub.s32 @!p0 $0x0, s1;
	[sflag:s0] =	ssyncset.done @!p0 $0x0  }
0xef: {  	[sflag:s0] =	ssyncadd.s32 @!p0 s1  }
0xf0: {  	[bflag:$0x3] =	sbarrier.arrive $0xFFFF  }
0xf1: {  	_ =	shalt  }

// kernel: sparse-core-data-format-call.cloned.1.call-start
scs
called_computation_lowered:
.L_overlay_start_0:
0x0: {  	s2 =	sld [smem:$0x3FD9]  }
0x1: {  	s3 =	sld [smem:$0x3FFE];
	_ =	sdelay $0x1  }
0x2: {  	s1 =	srdreg.scid  }
0x3: {  	s0 =	sand.u32 $0x1, s1  }
0x4: {  	s18 =	sshll.u32 s0, $0xA;
	s2 =	sadd.s32 s3, s2  }
0x5: {  	s2 =	sadd.s32 s2, s18  }
0x6: {  	[smem:$0x3FC6] =	sst s2  }
0x7: {  	_ = 	snop  }
0x8: {  	s2 =	sld [smem:$0x3FD0];
	(tm) =	ssettm $0x1  }
0x9: {  	s19 =	sld [smem:$0x3FFB];
	_ =	sdelay $0x3  }
0xa: {  	_ =	strace s19  }
0xb: {  	s3 =	sld [smem:$0x3FFC];
	_ =	sdelay $0x3  }
0xc: {  	_ =	strace s3  }
0xd: {  	s3 =	sld [smem:$0x3FFD];
	_ =	sdelay $0x3  }
0xe: {  	_ =	strace s3  }
0xf: {  	_ =	strace $0x8FFFFFFF  }
0x10: {  	s20 =	sld [smem:$0x3FDB];
	_ =	sdelay $0x1  }
0x11: {  	s4 =	simm.s32 $_scs_section_size  }
0x12: {  	s5 =	simm.s32 $_size__tile_overlayer_lowered;
	s6 =	simm.s32 $_tile_overlayer_lowered  }
0x13: {  	s23 =	simm.s32 $0x1BFF;
	s22 =	sshll.u32 s6, $0x1;
	s3 =	sadd.s32 s4, s20  }
0x14: {  	s7 =	simm.s32 $0x0;
	s21 =	sshll.u32 s5, $0x1;
	s5 =	sadd.s32 s22, s3  }
0x15: {  	[timem:s7], [sflag:s23] =	dma.local [hbm:s5], s21  }
0x16: {  	_ =	swait.ge [sflag:s23], s21  }
0x17: {  	s4 =	ssub.s32 $0x0, s21;
	[sflag:s23] =	ssyncset.done $0x0  }
0x18: {  	[sflag:s23] =	ssyncadd.s32 s4;
	_ =	sdelay $0x1  }
0x19: {  	s24 =	simm.s32 $0x1B8B  }
0x1a: {  	_ =	swait.ge [sflag:s24], $0x1  }
0x1b: {  	[sflag:s24] =	ssyncset.done $0x0  }
0x1c: {  	s26 =	simm.s32 $0x1B8E;
	s25 =	sld [smem:$0x3FFE];
	[sflag:s24] =	ssyncadd.s32 $0xFFFFFFFF  }
0x1d: {  	s27 =	simm.s32 $execute0_lowered;
	[smem:$0x3FD2] =	sst s26  }
0x1e: {  	s5 =	sshll.u32 s27, $0x1;
	_ =	strace $0x80000049;
	[dreg:$0x1] =	wrdreg $0xFFFFFFFF  }
0x1f: {  	s28 =	simm.s32 $_size_execute0_lowered;
	s3 =	sadd.s32 s3, s5;
	[dreg:$0x0] =	wrdreg $0x0  }
0x20: {  	s5 =	sshll.u32 s28, $0x1;
	[dreg:$0x2] =	wrdreg s3  }
0x21: {  	[dreg:$0x3] =	wrdreg s5  }
0x22: {  	[dreg:$0x4] =	wrdreg $0xC0  }
0x23: {  	_ =	task [dreg:s7], $0x5FFFF  }
0x24: {  	[dreg:$0x1] =	wrdreg $0xFFFFFFFF  }
0x25: {  	[dreg:$0x0] =	wrdreg $0x60  }
0x26: {  	[dreg:$0x2] =	wrdreg s25  }
0x27: {  	[dreg:$0x3] =	wrdreg s2  }
0x28: {  	[dreg:$0x4] =	wrdreg $0x9  }
0x29: {  	_ =	task.clear_ibuf [dreg:s7], $0x5FFFF;
	_ =	strace $0x90000049  }
0x2a: {  	s29 =	simm.s32 $0x9;
	_ =	strace $0x8000004B  }
0x2b: {  	_ =	swait.ge [sflag:s29], $0x1  }
0x2c: {  	[sflag:s29] =	ssyncadd.s32 $0xFFFFFFFF  }
0x2d: {  	_ =	strace $0x9000004B  }
0x2e: {  	_ =	sfence  }
0x2f: {  	s30 =	sld [smem:$0x0];
	_ =	sdelay $0x2  }
0x30: {  	s31 =	sshll.u32 s1, $0xD;
	s1 =	sshrl.u32 s1, $0x2  }
0x31: {  	s3 =	sand.u32 $0x4000, s31;
	s1 =	sadd.s32 s1, s30  }
0x32: {  	s0 =	sor.u32 s3, s0;
	s1 =	sshll.u32 s1, $0x11  }
0x33: {  	s0 =	sor.u32 s1, s0  }
0x34: {  	s0 =	sadd.s32 $0x8F2B, s0  }
0x35: {  	[sflag:s0] =	ssyncadd.remote.s32 $0x1  }
0x36: {  	_ =	sfence.sel $0xFFFF  }
0x37: {  	[dreg:$0x0] =	wrdreg $0xFFFFFFFF;
	(pc) =	sbr.abs _section_cstart, $3  }
0x38: {  	[dreg:$0x1] =	wrdreg $0xFFFFFFFF  }
0x39: {  	_ =	task.clear_ibuf [dreg:s7], $0x2FFFF;
	_ =	strace $0x9FFFFFFF  }
0x3a: {  	(tm) =	ssettm $0x7FFFFFFF  }
0x3b: {  	_ =	shalt  }
tec
execute0_lowered:
.L_overlay_start_1:
0x0: {  	(tag) =	ssettag $0x1  }
0x1: {  	s0 =	srdreg.scid  }
0x2: {  	s1 =	sshll.u32 s0, $0x4  }
0x3: {  	s0 =	stileid.u32;
	s1 =	sand.u32 $0x10, s1  }
0x4: {  	s1 =	sor.u32 s0, s1  }
0x5: {  	s6 =	rddreg [dreg:$0x0];
	s4 =	simm.s32 $0x1;
	s2 =	sshll.u32 s1, $0x7  }
0x6: {  	s7 =	simm.s32 $0x2;
	s12 =	simm.s32 $0x0;
	s1 =	ssub.s32 $0x1000, s2  }
0x7: {  	s8 =	simm.s32 $0x8000;
	s13 =	simm.s32 $0x0;
	s3 =	sand.u32 $0xF80, s1  }
0x8: {  	s9 =	simm.s32 $0x0;
	s5 =	sshrl.u32 s1, $0xC;
	p0 =	sne.s32 s3, $0x0  }
.Ltmp0:
0x9: {  	s1 =	rddreg [dreg:$0x2];
	s4 =	simm.s32 @!p0 $0x0;
	(pc) =	sbr.rel .LBB1_1-.Ltmp0, $4  }
0xa: {  	s11 =	simm.s32 $0x0;
	s3 =	rddreg [dreg:$0x1];
	s5 =	sadd.s32 s4, s5  }
0xb: {  	_ =	strace $0x8000004A;
	s4 =	simm.s32 $0x1;
	s5 =	smul.u32 $0xC8, s5  }
0xc: {  	s6 =	sadd.s32 $0xA00, s6;
	s10 =	smov.u32 s2;
	[sflag:s4] =	ssyncpa.u1 $0x0  }
0xd: {  	p0 =	por $0x0, $0x0;
	[sflag:s7] =	ssyncpa.u1 $0x0;
	s7 =	sor.u32 $0x1, s5  }
.LBB1_4:
0xe: {  	s16 =	sshll.u32 s13, $0x3;
	s17 =	sand.u32 $0x78, s13  }
0xf: {  	s30 =	sand.u32 $0x7E00, s13;
	s12 =	sshll.u32 s12, $0xF;
	s16 =	sand.u32 $0xC00, s16  }
0x10: {  	[tilespmem:s15+$0x810 ss:$0x81] =	vst.msk $0xffff, v2;
	s31 =	sand.u32 $0x7, s13;
	s16 =	sor.u32 s17, s16;
	s17 =	sadd.s32 s3, s30  }
0x11: {  	[tilespmem:s15+$0x1020 ss:$0x81] =	vst.msk $0xffff, v0;
	s13 =	sshll.u32 s31, $0x12;
	s12 =	sadd.s32 s12, s17;
	s16 =	sshrl.u32 s16, $0x3  }
0x12: {  	[tilespmem:s15+$0x0 ss:$0x81] =	vst.msk $0xffff, v1;
	s13 =	sor.u32 $0x400, s13;
	s12 =	sadd.s32 s16, s12  }
0x13: {  	[hbm4b:s12+s13] =	stream.strided.scatter [tilespmem:s14], [sflag:$0x2], $0x2000, s8, s13, $0x20;
	[tilespmem:$0x8080] =	vst v63  }
.LBB1_5:
0x14: {  	s14 =	sadd.s32 $0x1, s9  }
0x15: {  	s12 =	sadd.s32 $0x1000, s10;
	s16 =	smov.u32 s10;
	p2 =	sgt.s32 s14, $0xC7  }
0x16: {  	s16 =	smov.u32 @p2 s12  }
0x17: {  	s14 =	simm.s32 @p2 $0x0;
	p2 =	sgt.s32 s16, $0xFFF  }
0x18: {  	s16 =	smov.u32 @p2 s2;
	p2 =	sne.s32 s11, s7  }
.Ltmp1:
0x19: {  	p1 =	slt.u32 s11, $0x2;
	(pc) =	sbr.rel @!p2 .LBB1_6-.Ltmp1, $4  }
0x1a: {  	s15 =	simm.s32 @!p1 $0x2  }
0x1b: {  	s13 =	smov.u32 s10;
	p0 =	por !p0, !p0;
	_ =	swait.ge @!p1 [sflag:s15], $0x2000  }
0x1c: {  	s12 =	smov.u32 s9;
	[sflag:s15] =	ssyncset.done @!p1 $0x0;
	s9 =	smov.u32 s14  }
0x1d: {  	s11 =	sadd.s32 $0x1, s11;
	[sflag:s15] =	ssyncadd.s32 @!p1 $0xFFFFE000;
	s10 =	smov.u32 s16  }
.LBB1_1:
0x1e: {  	p1 =	sge.u32 s11, s5  }
0x1f: {  	s14 =	sand.u32 @!p1 $0x1FFFFFF, s9  }
0x20: {  	s15 =	smulhi.u32 @!p1 $0x147AE15, s14;
	_ =	sdelay $0x1  }
0x21: {  	s15 =	smul.u32 @!p1 $0xC8, s15  }
0x22: {  	s16 =	sxor.u32 @!p1 $0xFFFFFFFF, s11;
	s17 =	smul.u32 @!p1 $0xC80, s10  }
0x23: {  	s31 =	sadd.s32 $0xFFFFFFFF, s11;
	s16 =	sshll.u32 @!p1 s16, $0xD;
	s14 =	ssub.s32 @!p1 s14, s15  }
0x24: {  	s15 =	sand.u32 @!p1 $0x2000, s16;
	s16 =	sadd.s32 @!p1 s6, s17;
	s14 =	sshll.u32 @!p1 s14, $0x4  }
0x25: {  	s17 =	simm.s32 @!p1 $0x6400;
	s14 =	sadd.s32 @!p1 s14, s16;
	s16 =	simm.s32 @!p1 $0x40  }
0x26: {  	[tilespmem:s15], [sflag:$0x1] =	stream.strided.gather @!p1 [hbm4b:s14+s16], $0x2000, s17, s16, $0x38;
	[tilespmem:$0x8080] =	vst v63  }
0x27: {  	p1 =	sge.u32 s31, s5  }
.Ltmp2:
0x28: {  	_ = 	snop;
	(pc) =	sbr.rel @p1 .LBB1_5-.Ltmp2, $1  }
0x29: {  	_ =	sdelay $0x3  }
0x2a: {  	s14 =	simm.s32 $0x1  }
0x2b: {  	_ =	swait.ge [sflag:s4], $0x2000;
	s14 =	simm.s32 @!p0 $0x0  }
0x2c: {  	[sflag:s4] =	ssyncset.done $0x0;
	s15 =	sshll.u32 s14, $0xD  }
0x2d: {  	[sflag:s4] =	ssyncadd.s32 $0xFFFFE000;
	s18 =	sor.u32 $0x20, s15  }
0x2e: {  	s14 =	smul.u32 $0x8100, s14;
	v3 =	vld [tilespmem:s18+$0x10]  }
0x2f: {  	s30 =	sand.u32 $0x1, s11;
	v2 =	vld [tilespmem:s18+$0xFFFFFFF0]  }
0x30: {  	s15 =	smul.u32 $0x8100, s30;
	s14 =	sshrl.u32 s14, $0x2;
	v0 =	vld [tilespmem:s18+$0x0]  }
0x31: {  	v1 =	vld [tilespmem:s18+$0xFFFFFFE0];
	s16 =	sor.u32 $0x4000, s14  }
0x32: {  	s31 =	sshrl.u32 s15, $0x2;
	s15 =	sadd.s32 $0x0, s16  }
0x33: {  	s17 =	simm.s32 $0x4;
	s18 =	sadd.s32 $0x40, s18;
	s14 =	sor.u32 $0x4000, s31;
	[tilespmem:s15+$0x1830 ss:$0x81] =	vst.msk $0xffff, v3  }
.LBB1_3:
0x34: {  	v3 =	vld [tilespmem:s18+$0x10];
	p1 =	sne.s32 s17, $0x1FC;
	[tilespmem:s15+$0x810 ss:$0x81] =	vst.msk $0xffff, v2;
	s19 =	smov.u32 s17;
	s17 =	sadd.s32 $0x4, s17  }
.Ltmp3:
0x35: {  	v2 =	vld [tilespmem:s18+$0xFFFFFFF0];
	[tilespmem:s15+$0x1020 ss:$0x81] =	vst.msk $0xffff, v0;
	(pc) =	sbr.rel @p1 .LBB1_3-.Ltmp3, $4  }
0x36: {  	v0 =	vld [tilespmem:s18+$0x0];
	[tilespmem:s15+$0x0 ss:$0x81] =	vst.msk $0xffff, v1  }
0x37: {  	s15 =	sshra.s32 s19, $0x2;
	v1 =	vld [tilespmem:s18+$0xFFFFFFE0]  }
0x38: {  	s15 =	sadd.s32 s15, s16  }
0x39: {  	s18 =	sadd.s32 $0x40, s18;
	[tilespmem:s15+$0x1830 ss:$0x81] =	vst.msk $0xffff, v3  }
.Ltmp4:
0x3a: {  	_ = 	snop;
	(pc) =	sbr.rel .LBB1_4-.Ltmp4, $1  }
0x3b: {  	_ =	sdelay $0x3  }
.LBB1_6:
0x3c: {  	_ =	sfence.sel $0x180000  }
0x3d: {  	s2 =	simm.s32 $0x1;
	[bflag:$0x0] =	sbarrier.arrive $0xFFFF  }
0x3e: {  	s31 =	simm.s32 $0x2;
	[sflag:s2] =	ssyncpa.u1 $0x1  }
0x3f: {  	[sflag:s31] =	ssyncpa.u1 $0x1  }
0x40: {  	p0 =	sne.s32 s0, $0x0;
	_ =	strace $0x9000004A  }
0x41: {  	s0 =	sadd.s32 @!p0 $0x100000, s1;
	[bflag:$0x2] =	sbarrier.arrive $0xFFFF  }
0x42: {  	[sflag:s0] =	ssyncadd.tile.s32 @!p0 $0x1;
	_ =	shalt  }
.Lfunc_end1:
_tile_overlayer_lowered:
.L_overlay_start_2:
0x43: {  	(tag) =	ssettag $0x2  }
0x44: {  	s0 =	rddreg [dreg:$0x0];
	s2 =	stileid.u32  }
0x45: {  	s1 =	rddreg [dreg:$0x1];
	p0 =	sne.s32 s2, $0x0  }
0x46: {  	s3 =	rddreg [dreg:$0x2];
	[bflag:$0x3] =	sbarrier.arrive $0xFFFF;
	s2 =	simm.s32 @!p0 $0x1C01  }
0x47: {  	[timem:s3], [sflag:s2] =	dma.local @!p0 [hbm:s0], s1  }
0x48: {  	s0 =	simm.s32 @!p0 $0x1  }
0x49: {  	_ =	swait.ge @!p0 [sflag:s0], s1  }
0x4a: {  	s1 =	ssub.s32 @!p0 $0x0, s1;
	[sflag:s0] =	ssyncset.done @!p0 $0x0  }
0x4b: {  	[sflag:s0] =	ssyncadd.s32 @!p0 s1  }
0x4c: {  	[bflag:$0x3] =	sbarrier.arrive $0xFFFF  }
0x4d: {  	_ =	shalt  }

</sc_bundles>
